<compile_context>
chip_gen: v7x
topology: tpu7x:2x2x1
jax: 0.10.2.dev20260603
libtpu: 0.0.44.dev20260713+nightly
codegen_flags: <defaults>
</compile_context>

<pallas_src>
import dataclasses
import functools

import jax
import jax.numpy as jnp
from jax.experimental import pallas as pl
from jax.experimental.pallas import tpu as pltpu
from jax.experimental.pallas import tpu_sc as plsc


def _sc_prep(rp2d, gidx, lh2d, pos_table):
    R, C = rp2d.shape
    NI = gidx.shape[1]
    V, D = lh2d.shape
    n_rel = pos_table.shape[0]
    BIAS_ROWS = 8
    GW = 16
    NBUF = 5

    mesh = plsc.VectorSubcoreMesh(core_axis_name="c", subcore_axis_name="s")
    cp = pltpu.CompilerParams()
    if "needs_layout_passes" in pltpu.CompilerParams.__dataclass_fields__:
        cp = dataclasses.replace(cp, needs_layout_passes=False)

    NW = mesh.num_cores * mesh.num_subcores
    rows_per_w = NI // NW

    @functools.partial(
        pl.kernel,
        out_type=(
            jax.ShapeDtypeStruct((R, C), jnp.bfloat16),
            jax.ShapeDtypeStruct((NI, D), jnp.float32),
        ),
        mesh=mesh,
        scratch_types=[
            pltpu.VMEM((n_rel,), jnp.float32),
            pltpu.VMEM((rows_per_w,), jnp.int32),
            pltpu.VMEM((NBUF, GW, D), jnp.float32),
        ] + [pltpu.SemaphoreType.DMA] * (NBUF + 1),
        compiler_params=cp,
    )
    def sc_kernel(rp_hbm, idx_hbm, lh_hbm, pt_hbm, bias_hbm, lhg_hbm,
                  pt_vmem, idx_v, rows_v, *sems):
        gsems, ssem = sems[:NBUF], sems[NBUF]
        pltpu.sync_copy(pt_hbm, pt_vmem)

        wid = (jax.lax.axis_index("s") * mesh.num_cores
               + jax.lax.axis_index("c"))
        base = wid * rows_per_w
        pltpu.sync_copy(idx_hbm.at[0, pl.ds(base, rows_per_w)], idx_v)
        nch = rows_per_w // GW
        for k in range(min(NBUF, nch)):
            pltpu.async_copy(
                lh_hbm.at[idx_v.at[pl.ds(k * GW, GW)]],
                rows_v.at[k], gsems[k])

        def row_gather_drain():
            n_async_stores = 0
            for k in range(nch):
                pltpu.make_async_copy(
                    lh_hbm.at[idx_v.at[pl.ds(k * GW, GW)]],
                    rows_v.at[k % NBUF], gsems[k % NBUF]).wait()
                if k + NBUF < nch:
                    pltpu.sync_copy(
                        rows_v.at[k % NBUF],
                        lhg_hbm.at[pl.ds(base + k * GW, GW)])
                    pltpu.async_copy(
                        lh_hbm.at[idx_v.at[pl.ds((k + NBUF) * GW, GW)]],
                        rows_v.at[k % NBUF], gsems[k % NBUF])
                else:
                    pltpu.async_copy(
                        rows_v.at[k % NBUF],
                        lhg_hbm.at[pl.ds(base + k * GW, GW)], ssem)
                    n_async_stores += 1
            for k in range(nch - n_async_stores, nch):
                pltpu.make_async_copy(
                    rows_v.at[k % NBUF],
                    lhg_hbm.at[pl.ds(base + k * GW, GW)], ssem).wait()

        def bias_body(rp_v, bias_v):
            iota2 = jax.lax.iota(jnp.int32, 16) * 2

            @pl.loop(0, BIAS_ROWS)
            def _(r):
                rvec = jnp.broadcast_to(r, (16,)).astype(jnp.int32)

                @plsc.parallel_loop(0, C, 32, unroll=4)
                def _(c):
                    ia = plsc.load_gather(rp_v, [rvec, c + iota2])
                    ib = plsc.load_gather(rp_v, [rvec, c + 1 + iota2])
                    va = plsc.load_gather(pt_vmem, [ia])
                    vb = plsc.load_gather(pt_vmem, [ib])
                    bias_v[r, pl.ds(c, 32)] = plsc.pack(
                        va, vb, format=plsc.PackFormat.INTERLEAVED)

        pltpu.emit_pipeline(
            bias_body,
            grid=(R // BIAS_ROWS,),
            in_specs=[pl.BlockSpec((BIAS_ROWS, C), lambda i: (i, 0))],
            out_specs=[pl.BlockSpec((BIAS_ROWS, C), lambda i: (i, 0))],
            core_axis_name=("c", "s"),
            dimension_semantics=(pltpu.PARALLEL,),
        )(rp_hbm, bias_hbm)

        row_gather_drain()

    return sc_kernel(rp2d, gidx, lh2d, pos_table)


def _tc_fuse(adjs, bias3, ghb, lhg3, Wgb, Wrb, br2):
    B, NG, _ = adjs.shape
    D = ghb.shape[2]
    BI = 512

    def body(adjs_ref, bias_ref, gh_ref, lhg_ref, wg_ref, wr_ref, br_ref,
             out_ref):
        a = (adjs_ref[0] + bias_ref[0].astype(jnp.float32)).astype(jnp.bfloat16)
        agg = jax.lax.dot(a, gh_ref[0].astype(jnp.bfloat16),
                          preferred_element_type=jnp.float32)
        gv = jnp.maximum(
            jax.lax.dot(agg.astype(jnp.bfloat16),
                        wg_ref[...].astype(jnp.bfloat16),
                        preferred_element_type=jnp.float32), 0.0)
        y = jax.lax.dot(lhg_ref[0].astype(jnp.bfloat16),
                        wr_ref[...].astype(jnp.bfloat16),
                        preferred_element_type=jnp.float32) + br_ref[...]
        out_ref[0] = 0.8 * gv + 0.2 * jnp.tanh(y)

    return pl.pallas_call(
        body,
        grid=(B, NG // BI),
        in_specs=[
            pl.BlockSpec((1, BI, NG), lambda b, i: (b, i, 0)),
            pl.BlockSpec((1, BI, NG), lambda b, i: (b, i, 0)),
            pl.BlockSpec((1, NG, D), lambda b, i: (b, 0, 0)),
            pl.BlockSpec((1, BI, D), lambda b, i: (b, i, 0)),
            pl.BlockSpec((D, D), lambda b, i: (0, 0)),
            pl.BlockSpec((D, D), lambda b, i: (0, 0)),
            pl.BlockSpec((1, D), lambda b, i: (0, 0)),
        ],
        out_specs=pl.BlockSpec((1, BI, D), lambda b, i: (b, i, 0)),
        out_shape=jax.ShapeDtypeStruct((B, NG, D), jnp.float32),
        compiler_params=pltpu.CompilerParams(
            dimension_semantics=("arbitrary", "arbitrary")),
    )(adjs, bias3, ghb, lhg3, Wgb, Wrb, br2)


def kernel(adjs, relative_pos, gh, lh, aligns, Wg, pos_table, Wr, br):
    B, NG, _ = adjs.shape
    L, D = lh.shape[1], lh.shape[2]

    rp2d = relative_pos.astype(jnp.int32).reshape(B * NG, NG)
    gidx = (aligns.astype(jnp.int32)
            + (jnp.arange(B, dtype=jnp.int32) * L)[:, None]).reshape(1, B * NG)
    lh2d = lh.reshape(B * L, D)

    bias, lhg = _sc_prep(rp2d, gidx, lh2d, pos_table)

    out = _tc_fuse(
        adjs,
        bias.reshape(B, NG, NG),
        gh,
        lhg.reshape(B, NG, D),
        Wg,
        Wr,
        br.reshape(1, D),
    )
    return out

# --- scband reference (transcript-rebuilt; emitter-appended) ---
"""Pipeline reference for scband-ensemble-encoder-46523085750787 (READ-ONLY COPY).

The authoritative reference and input builder live on the scoring server;
editing this copy changes nothing except your own understanding.
"""

import jax, jax.numpy as jnp
import numpy as np

B, NG, L, D = 4, 1024, 2048, 1024
N_REL = 64

def setup_inputs(seed: int = 0) -> dict:
    key = jax.random.key(seed)
    k = jax.random.split(key, 9)
    adjs = jax.random.uniform(k[0], (B, NG, NG), dtype=jnp.float32)
    relative_pos = jax.random.randint(k[1], (B, NG, NG), 0, N_REL, dtype=jnp.int64)
    gh = jax.random.normal(k[2], (B, NG, D), dtype=jnp.float32)
    lh = jax.random.normal(k[3], (B, L, D), dtype=jnp.float32)
    aligns = jax.random.randint(k[4], (B, NG), 0, L, dtype=jnp.int64)
    Wg = jax.random.normal(k[5], (D, D), dtype=jnp.float32) * (1.0 / np.sqrt(D))
    pos_table = jax.random.normal(k[6], (N_REL,), dtype=jnp.float32) * 0.02
    Wr = jax.random.normal(k[7], (D, D), dtype=jnp.float32) * (1.0 / np.sqrt(D))
    br = jnp.zeros((D,), dtype=jnp.float32)
    return {"adjs": adjs, "relative_pos": relative_pos, "gh": gh, "lh": lh,
            "aligns": aligns, "Wg": Wg, "pos_table": pos_table, "Wr": Wr, "br": br}

def reference(adjs, relative_pos, gh, lh, aligns, Wg, pos_table, Wr, br):
    # gcn_encoder(adjs, relative_pos, gh): relational GCN layer with
    # learned scalar bias per relative-position bucket (gather), then
    # neighborhood aggregation and linear projection + ReLU.
    rel_bias = jnp.take(pos_table, relative_pos, axis=0)        # [B, Ng, Ng]
    agg = jnp.einsum('bij,bjd->bid', adjs + rel_bias, gh)       # [B, Ng, D]
    gv = jax.nn.relu(agg @ Wg)                                  # [B, Ng, D]
    # rnn_encoder(lh): per-token projection + tanh (stand-in encoder)
    lv = jnp.tanh(lh @ Wr + br)                                 # [B, L, D]
    assert lv.shape[1] >= gv.shape[1]
    d = gv.shape[-1]
    aligns_e = jnp.broadcast_to(aligns[:, :, None], aligns.shape + (d,))
    lgv = jnp.take_along_axis(lv, aligns_e, axis=1)             # gather over seq dim
    value = 0.8 * gv + 0.2 * lgv
    return value

if __name__ == "__main__":
    import jax
    _d = setup_inputs()
    print(jax.jit(kernel)(*tuple(_d.values())))

</pallas_src>

<mosaic_0001>
#map = affine_map<(d0, d1) -> (0, 0)>
#map1 = affine_map<(d0, d1) -> (0)>
module attributes {stable_mosaic.version = 14 : i64} {
  func.func @sc_kernel(%arg0: i32, %arg1: i32, %arg2: memref<4096x1024xi32, #tpu.memory_space<hbm>>, %arg3: memref<1x4096xi32, #tpu.memory_space<hbm>>, %arg4: memref<8192x1024xf32, #tpu.memory_space<hbm>>, %arg5: memref<64xf32, #tpu.memory_space<hbm>>, %arg6: memref<4096x1024xbf16, #tpu.memory_space<hbm>>, %arg7: memref<4096x1024xf32, #tpu.memory_space<hbm>>, %arg8: memref<64xf32, #tpu.memory_space<vmem>>, %arg9: memref<128xi32, #tpu.memory_space<vmem>>, %arg10: memref<5x16x1024xf32, #tpu.memory_space<vmem>>, %arg11: memref<!tpu.dma_semaphore, #tpu.memory_space<semaphore_mem>>, %arg12: memref<!tpu.dma_semaphore, #tpu.memory_space<semaphore_mem>>, %arg13: memref<!tpu.dma_semaphore, #tpu.memory_space<semaphore_mem>>, %arg14: memref<!tpu.dma_semaphore, #tpu.memory_space<semaphore_mem>>, %arg15: memref<!tpu.dma_semaphore, #tpu.memory_space<semaphore_mem>>, %arg16: memref<!tpu.dma_semaphore, #tpu.memory_space<semaphore_mem>>) attributes {dimension_semantics = [#tpu.dimension_semantics<core_parallel>, #tpu.dimension_semantics<subcore_parallel>], iteration_bounds = array<i64: 2, 16>, scalar_prefetch = 0 : i64, scratch_operands = 9 : i64, tpu.core_type = #tpu.core_type<sc_vector_subcore>, window_params = [{transform_indices = #map}, {transform_indices = #map}, {transform_indices = #map}, {transform_indices = #map1}, {transform_indices = #map}, {transform_indices = #map}]} {
    "tpu.region"() ({
      %run_scoped3A_329 = tpu.sem_alloc : memref<!tpu.dma_semaphore, #tpu.memory_space<semaphore_mem>>
      tpu.enqueue_dma source(%arg5 : memref<64xf32, #tpu.memory_space<hbm>>) target(%arg8 : memref<64xf32, #tpu.memory_space<vmem>>) target_semaphore(%run_scoped3A_329 : memref<!tpu.dma_semaphore, #tpu.memory_space<semaphore_mem>>)
      tpu.wait_dma2 semaphore(%run_scoped3A_329 : memref<!tpu.dma_semaphore, #tpu.memory_space<semaphore_mem>>) src(%arg5 : memref<64xf32, #tpu.memory_space<hbm>>) dst(%arg8 : memref<64xf32, #tpu.memory_space<vmem>>)
      tpu.yield
    }) : () -> ()
    %mul3A = arith.constant 2 : i32
    %mul3A_0 = arith.muli %arg1, %mul3A : i32
    %add3A = arith.addi %mul3A_0, %arg0 : i32
    %mul3A_1 = arith.constant 128 : i32
    %mul3A_2 = arith.muli %add3A, %mul3A_1 : i32
    %run_scoped3A = arith.constant 0 : i32
    "tpu.region"() ({
      %run_scoped3A_329 = tpu.sem_alloc : memref<!tpu.dma_semaphore, #tpu.memory_space<semaphore_mem>>
      %dma_start3A_330 = tpu.memref_slice %arg3[%run_scoped3A, %mul3A_2] : memref<1x4096xi32, #tpu.memory_space<hbm>> -> memref<1x128xi32, #tpu.memory_space<hbm>>
      %dma_start3A_331 = tpu.memref_squeeze %dma_start3A_330 : memref<1x128xi32, #tpu.memory_space<hbm>> -> memref<128xi32, #tpu.memory_space<hbm>>
      %dma_start3A_332 = tpu.memref_slice %arg3[%run_scoped3A, %mul3A_2] : memref<1x4096xi32, #tpu.memory_space<hbm>> -> memref<1x128xi32, #tpu.memory_space<hbm>>
      %dma_start3A_333 = tpu.memref_squeeze %dma_start3A_332 : memref<1x128xi32, #tpu.memory_space<hbm>> -> memref<128xi32, #tpu.memory_space<hbm>>
      tpu.enqueue_dma source(%dma_start3A_333 : memref<128xi32, #tpu.memory_space<hbm>>) target(%arg9 : memref<128xi32, #tpu.memory_space<vmem>>) target_semaphore(%run_scoped3A_329 : memref<!tpu.dma_semaphore, #tpu.memory_space<semaphore_mem>>)
      %dma_wait3A_334 = tpu.memref_slice %arg3[%run_scoped3A, %mul3A_2] : memref<1x4096xi32, #tpu.memory_space<hbm>> -> memref<1x128xi32, #tpu.memory_space<hbm>>
      %dma_wait3A_335 = tpu.memref_squeeze %dma_wait3A_334 : memref<1x128xi32, #tpu.memory_space<hbm>> -> memref<128xi32, #tpu.memory_space<hbm>>
      %dma_wait3A_336 = tpu.memref_slice %arg3[%run_scoped3A, %mul3A_2] : memref<1x4096xi32, #tpu.memory_space<hbm>> -> memref<1x128xi32, #tpu.memory_space<hbm>>
      %dma_wait3A_337 = tpu.memref_squeeze %dma_wait3A_336 : memref<1x128xi32, #tpu.memory_space<hbm>> -> memref<128xi32, #tpu.memory_space<hbm>>
      tpu.wait_dma2 semaphore(%run_scoped3A_329 : memref<!tpu.dma_semaphore, #tpu.memory_space<semaphore_mem>>) src(%dma_wait3A_337 : memref<128xi32, #tpu.memory_space<hbm>>) dst(%arg9 : memref<128xi32, #tpu.memory_space<vmem>>)
      tpu.yield
    }) : () -> ()
    %dma_start3A = arith.constant 0 : i32
    %dma_start3A_3 = arith.constant 0 : i32
    %dma_start3A_4 = arith.constant 0 : i32
    %dma_start3A_5 = tpu.memref_slice %arg10[%dma_start3A, %dma_start3A_3, %dma_start3A_4] : memref<5x16x1024xf32, #tpu.memory_space<vmem>> -> memref<1x16x1024xf32, #tpu.memory_space<vmem>>
    %dma_start3A_6 = tpu.memref_squeeze %dma_start3A_5 : memref<1x16x1024xf32, #tpu.memory_space<vmem>> -> memref<16x1024xf32, #tpu.memory_space<vmem>>
    %dma_start3A_7 = arith.constant 0 : i32
    %dma_start3A_8 = tpu.memref_slice %arg9[%dma_start3A_7] : memref<128xi32, #tpu.memory_space<vmem>> -> memref<16xi32, #tpu.memory_space<vmem>>
    %dma_start3A_9 = arith.constant 0 : i32
    %dma_start3A_10 = arith.constant 0 : i32
    %dma_start3A_11 = tpu.memref_slice %arg4[%dma_start3A_9, %dma_start3A_10] : memref<8192x1024xf32, #tpu.memory_space<hbm>> -> memref<8192x1024xf32, #tpu.memory_space<hbm>>
    tpu.enqueue_indirect_dma source(%dma_start3A_11 : memref<8192x1024xf32, #tpu.memory_space<hbm>>) target(%dma_start3A_6 : memref<16x1024xf32, #tpu.memory_space<vmem>>) offsets(%dma_start3A_8 : memref<16xi32, #tpu.memory_space<vmem>>) semaphore(%arg11 : memref<!tpu.dma_semaphore, #tpu.memory_space<semaphore_mem>>)
    %dma_start3A_12 = arith.constant 1 : i32
    %dma_start3A_13 = arith.constant 0 : i32
    %dma_start3A_14 = arith.constant 0 : i32
    %dma_start3A_15 = tpu.memref_slice %arg10[%dma_start3A_12, %dma_start3A_13, %dma_start3A_14] : memref<5x16x1024xf32, #tpu.memory_space<vmem>> -> memref<1x16x1024xf32, #tpu.memory_space<vmem>>
    %dma_start3A_16 = tpu.memref_squeeze %dma_start3A_15 : memref<1x16x1024xf32, #tpu.memory_space<vmem>> -> memref<16x1024xf32, #tpu.memory_space<vmem>>
    %dma_start3A_17 = arith.constant 16 : i32
    %dma_start3A_18 = tpu.memref_slice %arg9[%dma_start3A_17] : memref<128xi32, #tpu.memory_space<vmem>> -> memref<16xi32, #tpu.memory_space<vmem>>
    %dma_start3A_19 = arith.constant 0 : i32
    %dma_start3A_20 = arith.constant 0 : i32
    %dma_start3A_21 = tpu.memref_slice %arg4[%dma_start3A_19, %dma_start3A_20] : memref<8192x1024xf32, #tpu.memory_space<hbm>> -> memref<8192x1024xf32, #tpu.memory_space<hbm>>
    tpu.enqueue_indirect_dma source(%dma_start3A_21 : memref<8192x1024xf32, #tpu.memory_space<hbm>>) target(%dma_start3A_16 : memref<16x1024xf32, #tpu.memory_space<vmem>>) offsets(%dma_start3A_18 : memref<16xi32, #tpu.memory_space<vmem>>) semaphore(%arg12 : memref<!tpu.dma_semaphore, #tpu.memory_space<semaphore_mem>>)
    %dma_start3A_22 = arith.constant 2 : i32
    %dma_start3A_23 = arith.constant 0 : i32
    %dma_start3A_24 = arith.constant 0 : i32
    %dma_start3A_25 = tpu.memref_slice %arg10[%dma_start3A_22, %dma_start3A_23, %dma_start3A_24] : memref<5x16x1024xf32, #tpu.memory_space<vmem>> -> memref<1x16x1024xf32, #tpu.memory_space<vmem>>
    %dma_start3A_26 = tpu.memref_squeeze %dma_start3A_25 : memref<1x16x1024xf32, #tpu.memory_space<vmem>> -> memref<16x1024xf32, #tpu.memory_space<vmem>>
    %dma_start3A_27 = arith.constant 32 : i32
    %dma_start3A_28 = tpu.memref_slice %arg9[%dma_start3A_27] : memref<128xi32, #tpu.memory_space<vmem>> -> memref<16xi32, #tpu.memory_space<vmem>>
    %dma_start3A_29 = arith.constant 0 : i32
    %dma_start3A_30 = arith.constant 0 : i32
    %dma_start3A_31 = tpu.memref_slice %arg4[%dma_start3A_29, %dma_start3A_30] : memref<8192x1024xf32, #tpu.memory_space<hbm>> -> memref<8192x1024xf32, #tpu.memory_space<hbm>>
    tpu.enqueue_indirect_dma source(%dma_start3A_31 : memref<8192x1024xf32, #tpu.memory_space<hbm>>) target(%dma_start3A_26 : memref<16x1024xf32, #tpu.memory_space<vmem>>) offsets(%dma_start3A_28 : memref<16xi32, #tpu.memory_space<vmem>>) semaphore(%arg13 : memref<!tpu.dma_semaphore, #tpu.memory_space<semaphore_mem>>)
    %dma_start3A_32 = arith.constant 3 : i32
    %dma_start3A_33 = arith.constant 0 : i32
    %dma_start3A_34 = arith.constant 0 : i32
    %dma_start3A_35 = tpu.memref_slice %arg10[%dma_start3A_32, %dma_start3A_33, %dma_start3A_34] : memref<5x16x1024xf32, #tpu.memory_space<vmem>> -> memref<1x16x1024xf32, #tpu.memory_space<vmem>>
    %dma_start3A_36 = tpu.memref_squeeze %dma_start3A_35 : memref<1x16x1024xf32, #tpu.memory_space<vmem>> -> memref<16x1024xf32, #tpu.memory_space<vmem>>
    %dma_start3A_37 = arith.constant 48 : i32
    %dma_start3A_38 = tpu.memref_slice %arg9[%dma_start3A_37] : memref<128xi32, #tpu.memory_space<vmem>> -> memref<16xi32, #tpu.memory_space<vmem>>
    %dma_start3A_39 = arith.constant 0 : i32
    %dma_start3A_40 = arith.constant 0 : i32
    %dma_start3A_41 = tpu.memref_slice %arg4[%dma_start3A_39, %dma_start3A_40] : memref<8192x1024xf32, #tpu.memory_space<hbm>> -> memref<8192x1024xf32, #tpu.memory_space<hbm>>
    tpu.enqueue_indirect_dma source(%dma_start3A_41 : memref<8192x1024xf32, #tpu.memory_space<hbm>>) target(%dma_start3A_36 : memref<16x1024xf32, #tpu.memory_space<vmem>>) offsets(%dma_start3A_38 : memref<16xi32, #tpu.memory_space<vmem>>) semaphore(%arg14 : memref<!tpu.dma_semaphore, #tpu.memory_space<semaphore_mem>>)
    %dma_start3A_42 = arith.constant 4 : i32
    %dma_start3A_43 = arith.constant 0 : i32
    %dma_start3A_44 = arith.constant 0 : i32
    %dma_start3A_45 = tpu.memref_slice %arg10[%dma_start3A_42, %dma_start3A_43, %dma_start3A_44] : memref<5x16x1024xf32, #tpu.memory_space<vmem>> -> memref<1x16x1024xf32, #tpu.memory_space<vmem>>
    %dma_start3A_46 = tpu.memref_squeeze %dma_start3A_45 : memref<1x16x1024xf32, #tpu.memory_space<vmem>> -> memref<16x1024xf32, #tpu.memory_space<vmem>>
    %dma_start3A_47 = arith.constant 64 : i32
    %dma_start3A_48 = tpu.memref_slice %arg9[%dma_start3A_47] : memref<128xi32, #tpu.memory_space<vmem>> -> memref<16xi32, #tpu.memory_space<vmem>>
    %dma_start3A_49 = arith.constant 0 : i32
    %dma_start3A_50 = arith.constant 0 : i32
    %dma_start3A_51 = tpu.memref_slice %arg4[%dma_start3A_49, %dma_start3A_50] : memref<8192x1024xf32, #tpu.memory_space<hbm>> -> memref<8192x1024xf32, #tpu.memory_space<hbm>>
    tpu.enqueue_indirect_dma source(%dma_start3A_51 : memref<8192x1024xf32, #tpu.memory_space<hbm>>) target(%dma_start3A_46 : memref<16x1024xf32, #tpu.memory_space<vmem>>) offsets(%dma_start3A_48 : memref<16xi32, #tpu.memory_space<vmem>>) semaphore(%arg15 : memref<!tpu.dma_semaphore, #tpu.memory_space<semaphore_mem>>)
    %mul3A_52 = arith.constant 1 : i32
    %mul3A_53 = arith.muli %arg1, %mul3A_52 : i32
    %add3A_54 = arith.constant 0 : i32
    %add3A_55 = arith.addi %add3A_54, %mul3A_53 : i32
    %mul3A_56 = arith.constant 16 : i32
    %mul3A_57 = arith.muli %arg0, %mul3A_56 : i32
    %add3A_58 = arith.addi %add3A_55, %mul3A_57 : i32
    %mul3A_59 = arith.constant 16 : i32
    %mul3A_60 = arith.muli %add3A_58, %mul3A_59 : i32
    "tpu.region"() ({
      %run_scoped3A_329 = memref.alloca() : memref<2x8x1024xi32, #tpu.memory_space<vmem>>
      %run_scoped3A_330 = tpu.sem_alloc : memref<2x!tpu.dma_semaphore, #tpu.memory_space<semaphore_mem>>
      %run_scoped3A_331 = memref.alloca() : memref<2x8x1024xbf16, #tpu.memory_space<vmem>>
      %run_scoped3A_332 = tpu.sem_alloc : memref<2x!tpu.dma_semaphore, #tpu.memory_space<semaphore_mem>>
      %add3A_333 = arith.constant 0 : i32
      %add3A_334 = arith.addi %add3A_333, %mul3A_60 : i32
      %select_n3A = arith.constant true
      %select_n3A_335 = arith.constant 0 : i32
      %select_n3A_336 = arith.constant -1 : i32
      %select_n3A_337 = arith.select %select_n3A, %select_n3A_336, %select_n3A_335 : i32
      %eq3A = arith.constant -1 : i32
      %eq3A_338 = arith.cmpi eq, %select_n3A_337, %eq3A : i32
      %select_n3A_339 = arith.constant 15 : i32
      %select_n3A_340 = arith.select %eq3A_338, %select_n3A_339, %select_n3A_337 : i32
      %add3A_341 = arith.addi %select_n3A_340, %mul3A_60 : i32
      %select_n3A_342 = arith.constant true
      %select_n3A_343 = arith.constant 0 : i32
      %select_n3A_344 = arith.constant 1 : i32
      %select_n3A_345 = arith.select %select_n3A_342, %select_n3A_344, %select_n3A_343 : i32
      %eq3A_346 = arith.constant 16 : i32
      %eq3A_347 = arith.cmpi eq, %select_n3A_345, %eq3A_346 : i32
      %select_n3A_348 = arith.constant 0 : i32
      %select_n3A_349 = arith.select %eq3A_347, %select_n3A_348, %select_n3A_345 : i32
      %add3A_350 = arith.addi %select_n3A_349, %mul3A_60 : i32
      %add3A_351 = arith.constant 1 : i32
      %add3A_352 = arith.addi %select_n3A_349, %add3A_351 : i32
      %select_n3A_353 = arith.constant true
      %select_n3A_354 = arith.select %select_n3A_353, %add3A_352, %select_n3A_349 : i32
      %eq3A_355 = arith.constant 16 : i32
      %eq3A_356 = arith.cmpi eq, %select_n3A_354, %eq3A_355 : i32
      %select_n3A_357 = arith.constant 0 : i32
      %select_n3A_358 = arith.select %eq3A_356, %select_n3A_357, %select_n3A_354 : i32
      %add3A_359 = arith.addi %select_n3A_358, %mul3A_60 : i32
      "tpu.trace_start"() <{level = 10 : i32, message = "ep_initialize_0"}> : () -> ()
      %rem3A = arith.constant 0 : i32
      %rem3A_360 = arith.constant 2 : i32
      %rem3A_361 = arith.remui %rem3A, %rem3A_360 : i32
      %mul3A_362 = arith.constant 8 : i32
      %mul3A_363 = arith.muli %mul3A_362, %add3A_334 : i32
      %dma_start3A_364 = arith.constant 0 : i32
      %dma_start3A_365 = arith.constant 0 : i32
      %dma_start3A_366 = tpu.memref_slice %run_scoped3A_329[%rem3A_361, %dma_start3A_364, %dma_start3A_365] : memref<2x8x1024xi32, #tpu.memory_space<vmem>> -> memref<1x8x1024xi32, #tpu.memory_space<vmem>>
      %dma_start3A_367 = tpu.memref_squeeze %dma_start3A_366 : memref<1x8x1024xi32, #tpu.memory_space<vmem>> -> memref<8x1024xi32, #tpu.memory_space<vmem>>
      %dma_start3A_368 = arith.constant 0 : i32
      %dma_start3A_369 = tpu.memref_slice %arg2[%mul3A_363, %dma_start3A_368] : memref<4096x1024xi32, #tpu.memory_space<hbm>> -> memref<8x1024xi32, #tpu.memory_space<hbm>>
      %dma_start3A_370 = tpu.memref_slice %run_scoped3A_330[%rem3A_361] : memref<2x!tpu.dma_semaphore, #tpu.memory_space<semaphore_mem>> -> memref<1x!tpu.dma_semaphore, #tpu.memory_space<semaphore_mem>>
      %dma_start3A_371 = tpu.memref_squeeze %dma_start3A_370 : memref<1x!tpu.dma_semaphore, #tpu.memory_space<semaphore_mem>> -> memref<!tpu.dma_semaphore, #tpu.memory_space<semaphore_mem>>
      %dma_start3A_372 = arith.constant 0 : i32
      %dma_start3A_373 = arith.constant 0 : i32
      %dma_start3A_374 = tpu.memref_slice %run_scoped3A_329[%rem3A_361, %dma_start3A_372, %dma_start3A_373] : memref<2x8x1024xi32, #tpu.memory_space<vmem>> -> memref<1x8x1024xi32, #tpu.memory_space<vmem>>
      %dma_start3A_375 = tpu.memref_squeeze %dma_start3A_374 : memref<1x8x1024xi32, #tpu.memory_space<vmem>> -> memref<8x1024xi32, #tpu.memory_space<vmem>>
      %dma_start3A_376 = arith.constant 0 : i32
      %dma_start3A_377 = tpu.memref_slice %arg2[%mul3A_363, %dma_start3A_376] : memref<4096x1024xi32, #tpu.memory_space<hbm>> -> memref<8x1024xi32, #tpu.memory_space<hbm>>
      tpu.enqueue_dma source(%dma_start3A_377 : memref<8x1024xi32, #tpu.memory_space<hbm>>) target(%dma_start3A_375 : memref<8x1024xi32, #tpu.memory_space<vmem>>) target_semaphore(%dma_start3A_371 : memref<!tpu.dma_semaphore, #tpu.memory_space<semaphore_mem>>)
      %add3A_378 = arith.constant 0 : i32
      %add3A_379 = arith.constant 1 : i32
      %add3A_380 = arith.addi %add3A_378, %add3A_379 : i32
      %select_n3A_381 = arith.constant true
      %select_n3A_382 = arith.constant 0 : i32
      %select_n3A_383 = arith.select %select_n3A_381, %add3A_380, %select_n3A_382 : i32
      "tpu.trace_stop"() : () -> ()
      %scan3A = arith.constant 0 : i32
      %scan3A_384 = arith.constant 0 : i32
      %scan3A_385 = arith.constant 0 : i32
      %scan3A_386 = arith.constant 0 : i32
      %scan3A_387 = arith.constant 0 : i32
      %scan3A_388 = arith.constant 16 : i32
      %scan3A_389 = arith.addi %scan3A_387, %scan3A_388 : i32
      %scan3A_390 = arith.constant 1 : i32
      %scan3A_391:5 = scf.for %scan3A_446 = %scan3A_387 to %scan3A_389 step %scan3A_390 iter_args(%scan3A_447 = %select_n3A_383, %scan3A_448 = %scan3A, %scan3A_449 = %scan3A_384, %scan3A_450 = %scan3A_385, %scan3A_451 = %scan3A_386) -> (i32, i32, i32, i32, i32)  : i32 {
        %eq3A_452 = arith.constant 0 : i32
        %eq3A_453 = arith.cmpi eq, %scan3A_446, %eq3A_452 : i32
        %eq3A_454 = arith.constant 15 : i32
        %eq3A_455 = arith.cmpi eq, %scan3A_446, %eq3A_454 : i32
        %add3A_456 = arith.addi %scan3A_451, %mul3A_60 : i32
        %sub3A_457 = arith.constant 1 : i32
        %sub3A_458 = arith.subi %scan3A_451, %sub3A_457 : i32
        %select_n3A_459 = arith.constant true
        %select_n3A_460 = arith.select %select_n3A_459, %sub3A_458, %scan3A_451 : i32
        %eq3A_461 = arith.constant -1 : i32
        %eq3A_462 = arith.cmpi eq, %select_n3A_460, %eq3A_461 : i32
        %select_n3A_463 = arith.constant 15 : i32
        %select_n3A_464 = arith.select %eq3A_462, %select_n3A_463, %select_n3A_460 : i32
        %add3A_465 = arith.addi %select_n3A_464, %mul3A_60 : i32
        %add3A_466 = arith.constant 1 : i32
        %add3A_467 = arith.addi %scan3A_451, %add3A_466 : i32
        %select_n3A_468 = arith.constant true
        %select_n3A_469 = arith.select %select_n3A_468, %add3A_467, %scan3A_451 : i32
        %eq3A_470 = arith.constant 16 : i32
        %eq3A_471 = arith.cmpi eq, %select_n3A_469, %eq3A_470 : i32
        %select_n3A_472 = arith.constant 0 : i32
        %select_n3A_473 = arith.select %eq3A_471, %select_n3A_472, %select_n3A_469 : i32
        %add3A_474 = arith.addi %select_n3A_473, %mul3A_60 : i32
        %add3A_475 = arith.constant 1 : i32
        %add3A_476 = arith.addi %select_n3A_473, %add3A_475 : i32
        %select_n3A_477 = arith.constant true
        %select_n3A_478 = arith.select %select_n3A_477, %add3A_476, %select_n3A_473 : i32
        %eq3A_479 = arith.constant 16 : i32
        %eq3A_480 = arith.cmpi eq, %select_n3A_478, %eq3A_479 : i32
        %select_n3A_481 = arith.constant 0 : i32
        %select_n3A_482 = arith.select %eq3A_480, %select_n3A_481, %select_n3A_478 : i32
        %add3A_483 = arith.addi %select_n3A_482, %mul3A_60 : i32
        %ne3A = arith.cmpi ne, %add3A_456, %add3A_474 : i32
        %or3A = arith.constant false
        %or3A_484 = arith.ori %or3A, %ne3A : i1
        %or3A_485 = arith.constant false
        %or3A_486 = arith.ori %or3A_484, %or3A_485 : i1
        %ge3A = arith.constant 15 : i32
        %ge3A_487 = arith.cmpi sge, %scan3A_446, %ge3A : i32
        %not3A = arith.constant true
        %not3A_488 = arith.xori %ge3A_487, %not3A : i1
        %and3A = arith.andi %or3A_486, %not3A_488 : i1
        %convert_element_type3A = arith.extui %and3A : i1 to i32
        %cond3A = arith.constant 0 : i32
        %cond3A_489 = arith.cmpi ne, %convert_element_type3A, %cond3A : i32
        scf.if %cond3A_489 {
          "tpu.trace_start"() <{level = 10 : i32, message = "ep_copy_in"}> : () -> ()
          %rem3A_606 = arith.constant 2 : i32
          %rem3A_607 = arith.remui %scan3A_447, %rem3A_606 : i32
          %mul3A_608 = arith.constant 8 : i32
          %mul3A_609 = arith.muli %mul3A_608, %add3A_474 : i32
          %dma_start3A_610 = arith.constant 0 : i32
          %dma_start3A_611 = arith.constant 0 : i32
          %dma_start3A_612 = tpu.memref_slice %run_scoped3A_329[%rem3A_607, %dma_start3A_610, %dma_start3A_611] : memref<2x8x1024xi32, #tpu.memory_space<vmem>> -> memref<1x8x1024xi32, #tpu.memory_space<vmem>>
          %dma_start3A_613 = tpu.memref_squeeze %dma_start3A_612 : memref<1x8x1024xi32, #tpu.memory_space<vmem>> -> memref<8x1024xi32, #tpu.memory_space<vmem>>
          %dma_start3A_614 = arith.constant 0 : i32
          %dma_start3A_615 = tpu.memref_slice %arg2[%mul3A_609, %dma_start3A_614] : memref<4096x1024xi32, #tpu.memory_space<hbm>> -> memref<8x1024xi32, #tpu.memory_space<hbm>>
          %dma_start3A_616 = tpu.memref_slice %run_scoped3A_330[%rem3A_607] : memref<2x!tpu.dma_semaphore, #tpu.memory_space<semaphore_mem>> -> memref<1x!tpu.dma_semaphore, #tpu.memory_space<semaphore_mem>>
          %dma_start3A_617 = tpu.memref_squeeze %dma_start3A_616 : memref<1x!tpu.dma_semaphore, #tpu.memory_space<semaphore_mem>> -> memref<!tpu.dma_semaphore, #tpu.memory_space<semaphore_mem>>
          %dma_start3A_618 = arith.constant 0 : i32
          %dma_start3A_619 = arith.constant 0 : i32
          %dma_start3A_620 = tpu.memref_slice %run_scoped3A_329[%rem3A_607, %dma_start3A_618, %dma_start3A_619] : memref<2x8x1024xi32, #tpu.memory_space<vmem>> -> memref<1x8x1024xi32, #tpu.memory_space<vmem>>
          %dma_start3A_621 = tpu.memref_squeeze %dma_start3A_620 : memref<1x8x1024xi32, #tpu.memory_space<vmem>> -> memref<8x1024xi32, #tpu.memory_space<vmem>>
          %dma_start3A_622 = arith.constant 0 : i32
          %dma_start3A_623 = tpu.memref_slice %arg2[%mul3A_609, %dma_start3A_622] : memref<4096x1024xi32, #tpu.memory_space<hbm>> -> memref<8x1024xi32, #tpu.memory_space<hbm>>
          tpu.enqueue_dma source(%dma_start3A_623 : memref<8x1024xi32, #tpu.memory_space<hbm>>) target(%dma_start3A_621 : memref<8x1024xi32, #tpu.memory_space<vmem>>) target_semaphore(%dma_start3A_617 : memref<!tpu.dma_semaphore, #tpu.memory_space<semaphore_mem>>)
          "tpu.trace_stop"() : () -> ()
        } else {
        }
        %and3A_490 = arith.constant true
        %and3A_491 = arith.andi %and3A, %and3A_490 : i1
        %add3A_492 = arith.constant 1 : i32
        %add3A_493 = arith.addi %scan3A_447, %add3A_492 : i32
        %select_n3A_494 = arith.select %and3A_491, %add3A_493, %scan3A_447 : i32
        %ne3A_495 = arith.cmpi ne, %add3A_456, %add3A_474 : i32
        %or3A_496 = arith.constant false
        %or3A_497 = arith.ori %or3A_496, %ne3A_495 : i1
        %or3A_498 = arith.constant false
        %or3A_499 = arith.ori %or3A_497, %or3A_498 : i1
        %ge3A_500 = arith.constant 15 : i32
        %ge3A_501 = arith.cmpi sge, %scan3A_446, %ge3A_500 : i32
        %not3A_502 = arith.constant true
        %not3A_503 = arith.xori %ge3A_501, %not3A_502 : i1
        %and3A_504 = arith.andi %or3A_499, %not3A_503 : i1
        %ne3A_505 = arith.cmpi ne, %add3A_456, %add3A_465 : i32
        %or3A_506 = arith.constant false
        %or3A_507 = arith.ori %or3A_506, %ne3A_505 : i1
        %or3A_508 = arith.constant false
        %or3A_509 = arith.ori %or3A_507, %or3A_508 : i1
        %or3A_510 = arith.ori %or3A_509, %eq3A_453 : i1
        %convert_element_type3A_511 = arith.extui %or3A_510 : i1 to i32
        %cond3A_512 = arith.constant 0 : i32
        %cond3A_513 = arith.cmpi ne, %convert_element_type3A_511, %cond3A_512 : i32
        scf.if %cond3A_513 {
          "tpu.trace_start"() <{level = 10 : i32, message = "ep_wait_in"}> : () -> ()
          %mul3A_606 = arith.constant 8 : i32
          %mul3A_607 = arith.muli %mul3A_606, %add3A_456 : i32
          %rem3A_608 = arith.constant 2 : i32
          %rem3A_609 = arith.remui %scan3A_448, %rem3A_608 : i32
          %dma_wait3A_610 = arith.constant 0 : i32
          %dma_wait3A_611 = arith.constant 0 : i32
          %dma_wait3A_612 = tpu.memref_slice %run_scoped3A_329[%rem3A_609, %dma_wait3A_610, %dma_wait3A_611] : memref<2x8x1024xi32, #tpu.memory_space<vmem>> -> memref<1x8x1024xi32, #tpu.memory_space<vmem>>
          %dma_wait3A_613 = tpu.memref_squeeze %dma_wait3A_612 : memref<1x8x1024xi32, #tpu.memory_space<vmem>> -> memref<8x1024xi32, #tpu.memory_space<vmem>>
          %dma_wait3A_614 = arith.constant 0 : i32
          %dma_wait3A_615 = tpu.memref_slice %arg2[%mul3A_607, %dma_wait3A_614] : memref<4096x1024xi32, #tpu.memory_space<hbm>> -> memref<8x1024xi32, #tpu.memory_space<hbm>>
          %dma_wait3A_616 = tpu.memref_slice %run_scoped3A_330[%rem3A_609] : memref<2x!tpu.dma_semaphore, #tpu.memory_space<semaphore_mem>> -> memref<1x!tpu.dma_semaphore, #tpu.memory_space<semaphore_mem>>
          %dma_wait3A_617 = tpu.memref_squeeze %dma_wait3A_616 : memref<1x!tpu.dma_semaphore, #tpu.memory_space<semaphore_mem>> -> memref<!tpu.dma_semaphore, #tpu.memory_space<semaphore_mem>>
          %dma_wait3A_618 = arith.constant 0 : i32
          %dma_wait3A_619 = arith.constant 0 : i32
          %dma_wait3A_620 = tpu.memref_slice %run_scoped3A_329[%rem3A_609, %dma_wait3A_618, %dma_wait3A_619] : memref<2x8x1024xi32, #tpu.memory_space<vmem>> -> memref<1x8x1024xi32, #tpu.memory_space<vmem>>
          %dma_wait3A_621 = tpu.memref_squeeze %dma_wait3A_620 : memref<1x8x1024xi32, #tpu.memory_space<vmem>> -> memref<8x1024xi32, #tpu.memory_space<vmem>>
          %dma_wait3A_622 = arith.constant 0 : i32
          %dma_wait3A_623 = tpu.memref_slice %arg2[%mul3A_607, %dma_wait3A_622] : memref<4096x1024xi32, #tpu.memory_space<hbm>> -> memref<8x1024xi32, #tpu.memory_space<hbm>>
          tpu.wait_dma2 semaphore(%dma_wait3A_617 : memref<!tpu.dma_semaphore, #tpu.memory_space<semaphore_mem>>) src(%dma_wait3A_623 : memref<8x1024xi32, #tpu.memory_space<hbm>>) dst(%dma_wait3A_621 : memref<8x1024xi32, #tpu.memory_space<vmem>>)
          "tpu.trace_stop"() : () -> ()
        } else {
        }
        %ne3A_514 = arith.cmpi ne, %add3A_456, %add3A_465 : i32
        %or3A_515 = arith.constant false
        %or3A_516 = arith.ori %or3A_515, %ne3A_514 : i1
        %or3A_517 = arith.constant false
        %or3A_518 = arith.ori %or3A_516, %or3A_517 : i1
        %or3A_519 = arith.ori %or3A_518, %eq3A_453 : i1
        %convert_element_type3A_520 = arith.extui %or3A_519 : i1 to i32
        %cond3A_521 = arith.constant 0 : i32
        %cond3A_522 = arith.cmpi ne, %convert_element_type3A_520, %cond3A_521 : i32
        scf.if %cond3A_522 {
        } else {
        }
        %rem3A_523 = arith.constant 2 : i32
        %rem3A_524 = arith.remui %scan3A_448, %rem3A_523 : i32
        %rem3A_525 = arith.constant 2 : i32
        %rem3A_526 = arith.remui %scan3A_449, %rem3A_525 : i32
        "tpu.trace_start"() <{level = 10 : i32, message = "ep_run_kernel"}> : () -> ()
        %iota3A = tpu.iota {dimensions = array<i32: 0>} : vector<16xi32>
        %mul3A_527 = arith.constant 2 : i32
        %mul3A_528 = vector.broadcast %mul3A_527 : i32 to vector<16xi32>
        %mul3A_529 = arith.muli %iota3A, %mul3A_528 : vector<16xi32>
        %scan3A_530 = arith.constant 0 : i32
        %scan3A_531 = arith.constant 8 : i32
        %scan3A_532 = arith.addi %scan3A_530, %scan3A_531 : i32
        %scan3A_533 = arith.constant 1 : i32
        scf.for %scan3A_606 = %scan3A_530 to %scan3A_532 step %scan3A_533  : i32 {
          %mul3A_607 = arith.constant 1 : i32
          %mul3A_608 = arith.muli %scan3A_606, %mul3A_607 : i32
          %add3A_609 = arith.constant 0 : i32
          %add3A_610 = arith.addi %add3A_609, %mul3A_608 : i32
          %broadcast_in_dim3A = vector.broadcast %add3A_610 : i32 to vector<16xi32>
          %parallel_loop3A = arith.constant 0 : i32
          %parallel_loop3A_611 = arith.constant 1024 : i32
          %parallel_loop3A_612 = arith.constant 32 : i32
          scf.for %parallel_loop3A_613 = %parallel_loop3A to %parallel_loop3A_611 step %parallel_loop3A_612  : i32 {
            %parallel_loop3A_614 = vector.broadcast %parallel_loop3A_613 : i32 to vector<16xi32>
            %parallel_loop3A_615 = arith.addi %parallel_loop3A_614, %mul3A_529 : vector<16xi32>
            %parallel_loop3A_616 = arith.constant 0 : i32
            %parallel_loop3A_617 = arith.constant 0 : i32
            %parallel_loop3A_618 = tpu.memref_slice %run_scoped3A_329[%rem3A_524, %parallel_loop3A_616, %parallel_loop3A_617] : memref<2x8x1024xi32, #tpu.memory_space<vmem>> -> memref<1x8x1024xi32, #tpu.memory_space<vmem>>
            %parallel_loop3A_619 = tpu.memref_squeeze %parallel_loop3A_618 : memref<1x8x1024xi32, #tpu.memory_space<vmem>> -> memref<8x1024xi32, #tpu.memory_space<vmem>>
            %parallel_loop3A_620 = tpu.vector_load_idx %parallel_loop3A_619[%broadcast_in_dim3A, %parallel_loop3A_615] : memref<8x1024xi32, #tpu.memory_space<vmem>>[vector<16xi32>, vector<16xi32>], vector<16xi32>,
            %parallel_loop3A_621 = arith.constant 1 : i32
            %parallel_loop3A_622 = arith.addi %parallel_loop3A_613, %parallel_loop3A_621 : i32
            %parallel_loop3A_623 = vector.broadcast %parallel_loop3A_622 : i32 to vector<16xi32>
            %parallel_loop3A_624 = arith.addi %parallel_loop3A_623, %mul3A_529 : vector<16xi32>
            %parallel_loop3A_625 = arith.constant 0 : i32
            %parallel_loop3A_626 = arith.constant 0 : i32
            %parallel_loop3A_627 = tpu.memref_slice %run_scoped3A_329[%rem3A_524, %parallel_loop3A_625, %parallel_loop3A_626] : memref<2x8x1024xi32, #tpu.memory_space<vmem>> -> memref<1x8x1024xi32, #tpu.memory_space<vmem>>
            %parallel_loop3A_628 = tpu.memref_squeeze %parallel_loop3A_627 : memref<1x8x1024xi32, #tpu.memory_space<vmem>> -> memref<8x1024xi32, #tpu.memory_space<vmem>>
            %parallel_loop3A_629 = tpu.vector_load_idx %parallel_loop3A_628[%broadcast_in_dim3A, %parallel_loop3A_624] : memref<8x1024xi32, #tpu.memory_space<vmem>>[vector<16xi32>, vector<16xi32>], vector<16xi32>,
            %parallel_loop3A_630 = tpu.vector_load_idx %arg8[%parallel_loop3A_620] : memref<64xf32, #tpu.memory_space<vmem>>[vector<16xi32>], vector<16xf32>,
            %parallel_loop3A_631 = tpu.vector_load_idx %arg8[%parallel_loop3A_629] : memref<64xf32, #tpu.memory_space<vmem>>[vector<16xi32>], vector<16xf32>,
            %parallel_loop3A_632 = tpu.pack_subelements %parallel_loop3A_630, %parallel_loop3A_631 {pack_format = #tpu.pack_format<interleaved>, positions = array<i32: 0, 1>} : vector<16xf32>, vector<16xf32> -> vector<32xbf16>
            %parallel_loop3A_633 = arith.constant 0 : i32
            %parallel_loop3A_634 = arith.constant 0 : i32
            %parallel_loop3A_635 = tpu.memref_slice %run_scoped3A_331[%rem3A_526, %parallel_loop3A_633, %parallel_loop3A_634] : memref<2x8x1024xbf16, #tpu.memory_space<vmem>> -> memref<1x8x1024xbf16, #tpu.memory_space<vmem>>
            %parallel_loop3A_636 = tpu.memref_squeeze %parallel_loop3A_635 : memref<1x8x1024xbf16, #tpu.memory_space<vmem>> -> memref<8x1024xbf16, #tpu.memory_space<vmem>>
            %parallel_loop3A_637 = arith.index_cast %add3A_610 : i32 to index
            %parallel_loop3A_638 = arith.index_cast %parallel_loop3A_613 : i32 to index
            %parallel_loop3A_639 = tpu.vector_load %parallel_loop3A_636[%parallel_loop3A_637, %parallel_loop3A_638] {strides = array<i32>} : memref<8x1024xbf16, #tpu.memory_space<vmem>>, vector<32xbf16>,
            tpu.vector_store %parallel_loop3A_636[%parallel_loop3A_637, %parallel_loop3A_638], %parallel_loop3A_632 {strides = array<i32>} : memref<8x1024xbf16, #tpu.memory_space<vmem>>, vector<32xbf16>,
          } {sc.loop_unroll_factor = 4 : i64, sc.parallel_access}
        }
        %scan3A_534 = arith.constant 8 : i32
        "tpu.trace_stop"() : () -> ()
        %ne3A_535 = arith.cmpi ne, %add3A_456, %add3A_474 : i32
        %or3A_536 = arith.constant false
        %or3A_537 = arith.ori %or3A_536, %ne3A_535 : i1
        %or3A_538 = arith.constant false
        %or3A_539 = arith.ori %or3A_537, %or3A_538 : i1
        %or3A_540 = arith.ori %or3A_539, %eq3A_455 : i1
        %convert_element_type3A_541 = arith.extui %or3A_540 : i1 to i32
        %cond3A_542 = arith.constant 0 : i32
        %cond3A_543 = arith.cmpi ne, %convert_element_type3A_541, %cond3A_542 : i32
        scf.if %cond3A_543 {
        } else {
        }
        %and3A_544 = arith.constant false
        %and3A_545 = arith.andi %or3A_540, %and3A_544 : i1
        %ne3A_546 = arith.cmpi ne, %add3A_456, %add3A_474 : i32
        %or3A_547 = arith.constant false
        %or3A_548 = arith.ori %or3A_547, %ne3A_546 : i1
        %or3A_549 = arith.constant false
        %or3A_550 = arith.ori %or3A_548, %or3A_549 : i1
        %or3A_551 = arith.ori %or3A_550, %eq3A_455 : i1
        %convert_element_type3A_552 = arith.extui %or3A_551 : i1 to i32
        %cond3A_553 = arith.constant 0 : i32
        %cond3A_554 = arith.cmpi ne, %convert_element_type3A_552, %cond3A_553 : i32
        scf.if %cond3A_554 {
          "tpu.trace_start"() <{level = 10 : i32, message = "ep_copy_out"}> : () -> ()
          %rem3A_606 = arith.constant 2 : i32
          %rem3A_607 = arith.remui %scan3A_449, %rem3A_606 : i32
          %mul3A_608 = arith.constant 8 : i32
          %mul3A_609 = arith.muli %mul3A_608, %add3A_456 : i32
          %dma_start3A_610 = arith.constant 0 : i32
          %dma_start3A_611 = arith.constant 0 : i32
          %dma_start3A_612 = tpu.memref_slice %run_scoped3A_331[%rem3A_607, %dma_start3A_610, %dma_start3A_611] : memref<2x8x1024xbf16, #tpu.memory_space<vmem>> -> memref<1x8x1024xbf16, #tpu.memory_space<vmem>>
          %dma_start3A_613 = tpu.memref_squeeze %dma_start3A_612 : memref<1x8x1024xbf16, #tpu.memory_space<vmem>> -> memref<8x1024xbf16, #tpu.memory_space<vmem>>
          %dma_start3A_614 = arith.constant 0 : i32
          %dma_start3A_615 = tpu.memref_slice %arg6[%mul3A_609, %dma_start3A_614] : memref<4096x1024xbf16, #tpu.memory_space<hbm>> -> memref<8x1024xbf16, #tpu.memory_space<hbm>>
          %dma_start3A_616 = tpu.memref_slice %run_scoped3A_332[%rem3A_607] : memref<2x!tpu.dma_semaphore, #tpu.memory_space<semaphore_mem>> -> memref<1x!tpu.dma_semaphore, #tpu.memory_space<semaphore_mem>>
          %dma_start3A_617 = tpu.memref_squeeze %dma_start3A_616 : memref<1x!tpu.dma_semaphore, #tpu.memory_space<semaphore_mem>> -> memref<!tpu.dma_semaphore, #tpu.memory_space<semaphore_mem>>
          %dma_start3A_618 = arith.constant 0 : i32
          %dma_start3A_619 = tpu.memref_slice %arg6[%mul3A_609, %dma_start3A_618] : memref<4096x1024xbf16, #tpu.memory_space<hbm>> -> memref<8x1024xbf16, #tpu.memory_space<hbm>>
          %dma_start3A_620 = arith.constant 0 : i32
          %dma_start3A_621 = arith.constant 0 : i32
          %dma_start3A_622 = tpu.memref_slice %run_scoped3A_331[%rem3A_607, %dma_start3A_620, %dma_start3A_621] : memref<2x8x1024xbf16, #tpu.memory_space<vmem>> -> memref<1x8x1024xbf16, #tpu.memory_space<vmem>>
          %dma_start3A_623 = tpu.memref_squeeze %dma_start3A_622 : memref<1x8x1024xbf16, #tpu.memory_space<vmem>> -> memref<8x1024xbf16, #tpu.memory_space<vmem>>
          tpu.enqueue_dma source(%dma_start3A_623 : memref<8x1024xbf16, #tpu.memory_space<vmem>>) target(%dma_start3A_619 : memref<8x1024xbf16, #tpu.memory_space<hbm>>) target_semaphore(%dma_start3A_617 : memref<!tpu.dma_semaphore, #tpu.memory_space<semaphore_mem>>)
          "tpu.trace_stop"() : () -> ()
        } else {
        }
        %and3A_555 = arith.constant true
        %and3A_556 = arith.andi %or3A_551, %and3A_555 : i1
        %add3A_557 = arith.constant 1 : i32
        %add3A_558 = arith.addi %scan3A_449, %add3A_557 : i32
        %select_n3A_559 = arith.select %and3A_556, %add3A_558, %scan3A_449 : i32
        %ne3A_560 = arith.cmpi ne, %add3A_456, %add3A_465 : i32
        %or3A_561 = arith.constant false
        %or3A_562 = arith.ori %or3A_561, %ne3A_560 : i1
        %or3A_563 = arith.constant false
        %or3A_564 = arith.ori %or3A_562, %or3A_563 : i1
        %not3A_565 = arith.constant true
        %not3A_566 = arith.xori %eq3A_453, %not3A_565 : i1
        %and3A_567 = arith.andi %or3A_564, %not3A_566 : i1
        %convert_element_type3A_568 = arith.extui %and3A_567 : i1 to i32
        %cond3A_569 = arith.constant 0 : i32
        %cond3A_570 = arith.cmpi ne, %convert_element_type3A_568, %cond3A_569 : i32
        scf.if %cond3A_570 {
        } else {
        }
        %and3A_571 = arith.constant false
        %and3A_572 = arith.andi %and3A_567, %and3A_571 : i1
        %ne3A_573 = arith.cmpi ne, %add3A_456, %add3A_465 : i32
        %or3A_574 = arith.constant false
        %or3A_575 = arith.ori %or3A_574, %ne3A_573 : i1
        %or3A_576 = arith.constant false
        %or3A_577 = arith.ori %or3A_575, %or3A_576 : i1
        %not3A_578 = arith.constant true
        %not3A_579 = arith.xori %eq3A_453, %not3A_578 : i1
        %and3A_580 = arith.andi %or3A_577, %not3A_579 : i1
        %convert_element_type3A_581 = arith.extui %and3A_580 : i1 to i32
        %cond3A_582 = arith.constant 0 : i32
        %cond3A_583 = arith.cmpi ne, %convert_element_type3A_581, %cond3A_582 : i32
        scf.if %cond3A_583 {
          "tpu.trace_start"() <{level = 10 : i32, message = "ep_wait_out"}> : () -> ()
          %rem3A_606 = arith.constant 2 : i32
          %rem3A_607 = arith.remui %scan3A_450, %rem3A_606 : i32
          %mul3A_608 = arith.constant 8 : i32
          %mul3A_609 = arith.muli %mul3A_608, %add3A_465 : i32
          %dma_wait3A_610 = arith.constant 0 : i32
          %dma_wait3A_611 = arith.constant 0 : i32
          %dma_wait3A_612 = tpu.memref_slice %run_scoped3A_331[%rem3A_607, %dma_wait3A_610, %dma_wait3A_611] : memref<2x8x1024xbf16, #tpu.memory_space<vmem>> -> memref<1x8x1024xbf16, #tpu.memory_space<vmem>>
          %dma_wait3A_613 = tpu.memref_squeeze %dma_wait3A_612 : memref<1x8x1024xbf16, #tpu.memory_space<vmem>> -> memref<8x1024xbf16, #tpu.memory_space<vmem>>
          %dma_wait3A_614 = arith.constant 0 : i32
          %dma_wait3A_615 = tpu.memref_slice %arg6[%mul3A_609, %dma_wait3A_614] : memref<4096x1024xbf16, #tpu.memory_space<hbm>> -> memref<8x1024xbf16, #tpu.memory_space<hbm>>
          %dma_wait3A_616 = tpu.memref_slice %run_scoped3A_332[%rem3A_607] : memref<2x!tpu.dma_semaphore, #tpu.memory_space<semaphore_mem>> -> memref<1x!tpu.dma_semaphore, #tpu.memory_space<semaphore_mem>>
          %dma_wait3A_617 = tpu.memref_squeeze %dma_wait3A_616 : memref<1x!tpu.dma_semaphore, #tpu.memory_space<semaphore_mem>> -> memref<!tpu.dma_semaphore, #tpu.memory_space<semaphore_mem>>
          %dma_wait3A_618 = arith.constant 0 : i32
          %dma_wait3A_619 = tpu.memref_slice %arg6[%mul3A_609, %dma_wait3A_618] : memref<4096x1024xbf16, #tpu.memory_space<hbm>> -> memref<8x1024xbf16, #tpu.memory_space<hbm>>
          %dma_wait3A_620 = arith.constant 0 : i32
          %dma_wait3A_621 = arith.constant 0 : i32
          %dma_wait3A_622 = tpu.memref_slice %run_scoped3A_331[%rem3A_607, %dma_wait3A_620, %dma_wait3A_621] : memref<2x8x1024xbf16, #tpu.memory_space<vmem>> -> memref<1x8x1024xbf16, #tpu.memory_space<vmem>>
          %dma_wait3A_623 = tpu.memref_squeeze %dma_wait3A_622 : memref<1x8x1024xbf16, #tpu.memory_space<vmem>> -> memref<8x1024xbf16, #tpu.memory_space<vmem>>
          tpu.wait_dma2 semaphore(%dma_wait3A_617 : memref<!tpu.dma_semaphore, #tpu.memory_space<semaphore_mem>>) src(%dma_wait3A_623 : memref<8x1024xbf16, #tpu.memory_space<vmem>>) dst(%dma_wait3A_619 : memref<8x1024xbf16, #tpu.memory_space<hbm>>)
          "tpu.trace_stop"() : () -> ()
        } else {
        }
        %and3A_584 = arith.constant true
        %and3A_585 = arith.andi %and3A_580, %and3A_584 : i1
        %add3A_586 = arith.constant 1 : i32
        %add3A_587 = arith.addi %scan3A_450, %add3A_586 : i32
        %select_n3A_588 = arith.select %and3A_585, %add3A_587, %scan3A_450 : i32
        %ne3A_589 = arith.cmpi ne, %add3A_456, %add3A_474 : i32
        %or3A_590 = arith.constant false
        %or3A_591 = arith.ori %or3A_590, %ne3A_589 : i1
        %or3A_592 = arith.constant false
        %or3A_593 = arith.ori %or3A_591, %or3A_592 : i1
        %or3A_594 = arith.ori %or3A_593, %eq3A_455 : i1
        %add3A_595 = arith.constant 1 : i32
        %add3A_596 = arith.addi %scan3A_448, %add3A_595 : i32
        %select_n3A_597 = arith.select %or3A_594, %add3A_596, %scan3A_448 : i32
        %add3A_598 = arith.constant 1 : i32
        %add3A_599 = arith.addi %scan3A_451, %add3A_598 : i32
        %select_n3A_600 = arith.constant true
        %select_n3A_601 = arith.select %select_n3A_600, %add3A_599, %scan3A_451 : i32
        %eq3A_602 = arith.constant 16 : i32
        %eq3A_603 = arith.cmpi eq, %select_n3A_601, %eq3A_602 : i32
        %select_n3A_604 = arith.constant 0 : i32
        %select_n3A_605 = arith.select %eq3A_603, %select_n3A_604, %select_n3A_601 : i32
        scf.yield %select_n3A_494, %select_n3A_597, %select_n3A_559, %select_n3A_588, %select_n3A_605 : i32, i32, i32, i32, i32
      }
      %scan3A_392 = arith.constant 16 : i32
      %sub3A = arith.constant 1 : i32
      %sub3A_393 = arith.subi %scan3A_391#4, %sub3A : i32
      %select_n3A_394 = arith.constant true
      %select_n3A_395 = arith.select %select_n3A_394, %sub3A_393, %scan3A_391#4 : i32
      %eq3A_396 = arith.constant -1 : i32
      %eq3A_397 = arith.cmpi eq, %select_n3A_395, %eq3A_396 : i32
      %select_n3A_398 = arith.constant 15 : i32
      %select_n3A_399 = arith.select %eq3A_397, %select_n3A_398, %select_n3A_395 : i32
      %add3A_400 = arith.addi %select_n3A_399, %mul3A_60 : i32
      %sub3A_401 = arith.constant 1 : i32
      %sub3A_402 = arith.subi %select_n3A_399, %sub3A_401 : i32
      %select_n3A_403 = arith.constant true
      %select_n3A_404 = arith.select %select_n3A_403, %sub3A_402, %select_n3A_399 : i32
      %eq3A_405 = arith.constant -1 : i32
      %eq3A_406 = arith.cmpi eq, %select_n3A_404, %eq3A_405 : i32
      %select_n3A_407 = arith.constant 15 : i32
      %select_n3A_408 = arith.select %eq3A_406, %select_n3A_407, %select_n3A_404 : i32
      %add3A_409 = arith.addi %select_n3A_408, %mul3A_60 : i32
      %add3A_410 = arith.constant 1 : i32
      %add3A_411 = arith.addi %select_n3A_399, %add3A_410 : i32
      %select_n3A_412 = arith.constant true
      %select_n3A_413 = arith.select %select_n3A_412, %add3A_411, %select_n3A_399 : i32
      %eq3A_414 = arith.constant 16 : i32
      %eq3A_415 = arith.cmpi eq, %select_n3A_413, %eq3A_414 : i32
      %select_n3A_416 = arith.constant 0 : i32
      %select_n3A_417 = arith.select %eq3A_415, %select_n3A_416, %select_n3A_413 : i32
      %add3A_418 = arith.addi %select_n3A_417, %mul3A_60 : i32
      %add3A_419 = arith.constant 1 : i32
      %add3A_420 = arith.addi %select_n3A_417, %add3A_419 : i32
      %select_n3A_421 = arith.constant true
      %select_n3A_422 = arith.select %select_n3A_421, %add3A_420, %select_n3A_417 : i32
      %eq3A_423 = arith.constant 16 : i32
      %eq3A_424 = arith.cmpi eq, %select_n3A_422, %eq3A_423 : i32
      %select_n3A_425 = arith.constant 0 : i32
      %select_n3A_426 = arith.select %eq3A_424, %select_n3A_425, %select_n3A_422 : i32
      %add3A_427 = arith.addi %select_n3A_426, %mul3A_60 : i32
      "tpu.trace_start"() <{level = 10 : i32, message = "ep_finalize"}> : () -> ()
      %rem3A_428 = arith.constant 2 : i32
      %rem3A_429 = arith.remui %scan3A_391#3, %rem3A_428 : i32
      %mul3A_430 = arith.constant 8 : i32
      %mul3A_431 = arith.muli %mul3A_430, %add3A_400 : i32
      %dma_wait3A_432 = arith.constant 0 : i32
      %dma_wait3A_433 = arith.constant 0 : i32
      %dma_wait3A_434 = tpu.memref_slice %run_scoped3A_331[%rem3A_429, %dma_wait3A_432, %dma_wait3A_433] : memref<2x8x1024xbf16, #tpu.memory_space<vmem>> -> memref<1x8x1024xbf16, #tpu.memory_space<vmem>>
      %dma_wait3A_435 = tpu.memref_squeeze %dma_wait3A_434 : memref<1x8x1024xbf16, #tpu.memory_space<vmem>> -> memref<8x1024xbf16, #tpu.memory_space<vmem>>
      %dma_wait3A_436 = arith.constant 0 : i32
      %dma_wait3A_437 = tpu.memref_slice %arg6[%mul3A_431, %dma_wait3A_436] : memref<4096x1024xbf16, #tpu.memory_space<hbm>> -> memref<8x1024xbf16, #tpu.memory_space<hbm>>
      %dma_wait3A_438 = tpu.memref_slice %run_scoped3A_332[%rem3A_429] : memref<2x!tpu.dma_semaphore, #tpu.memory_space<semaphore_mem>> -> memref<1x!tpu.dma_semaphore, #tpu.memory_space<semaphore_mem>>
      %dma_wait3A_439 = tpu.memref_squeeze %dma_wait3A_438 : memref<1x!tpu.dma_semaphore, #tpu.memory_space<semaphore_mem>> -> memref<!tpu.dma_semaphore, #tpu.memory_space<semaphore_mem>>
      %dma_wait3A_440 = arith.constant 0 : i32
      %dma_wait3A_441 = tpu.memref_slice %arg6[%mul3A_431, %dma_wait3A_440] : memref<4096x1024xbf16, #tpu.memory_space<hbm>> -> memref<8x1024xbf16, #tpu.memory_space<hbm>>
      %dma_wait3A_442 = arith.constant 0 : i32
      %dma_wait3A_443 = arith.constant 0 : i32
      %dma_wait3A_444 = tpu.memref_slice %run_scoped3A_331[%rem3A_429, %dma_wait3A_442, %dma_wait3A_443] : memref<2x8x1024xbf16, #tpu.memory_space<vmem>> -> memref<1x8x1024xbf16, #tpu.memory_space<vmem>>
      %dma_wait3A_445 = tpu.memref_squeeze %dma_wait3A_444 : memref<1x8x1024xbf16, #tpu.memory_space<vmem>> -> memref<8x1024xbf16, #tpu.memory_space<vmem>>
      tpu.wait_dma2 semaphore(%dma_wait3A_439 : memref<!tpu.dma_semaphore, #tpu.memory_space<semaphore_mem>>) src(%dma_wait3A_445 : memref<8x1024xbf16, #tpu.memory_space<vmem>>) dst(%dma_wait3A_441 : memref<8x1024xbf16, #tpu.memory_space<hbm>>)
      "tpu.trace_stop"() : () -> ()
      tpu.yield
    }) : () -> ()
    %dma_wait3A = arith.constant 0 : i32
    %dma_wait3A_61 = arith.constant 0 : i32
    %dma_wait3A_62 = arith.constant 0 : i32
    %dma_wait3A_63 = tpu.memref_slice %arg10[%dma_wait3A, %dma_wait3A_61, %dma_wait3A_62] : memref<5x16x1024xf32, #tpu.memory_space<vmem>> -> memref<1x16x1024xf32, #tpu.memory_space<vmem>>
    %dma_wait3A_64 = tpu.memref_squeeze %dma_wait3A_63 : memref<1x16x1024xf32, #tpu.memory_space<vmem>> -> memref<16x1024xf32, #tpu.memory_space<vmem>>
    %dma_wait3A_65 = arith.constant 0 : i32
    %dma_wait3A_66 = tpu.memref_slice %arg9[%dma_wait3A_65] : memref<128xi32, #tpu.memory_space<vmem>> -> memref<16xi32, #tpu.memory_space<vmem>>
    %dma_wait3A_67 = arith.constant 0 : i32
    %dma_wait3A_68 = arith.constant 0 : i32
    %dma_wait3A_69 = tpu.memref_slice %arg4[%dma_wait3A_67, %dma_wait3A_68] : memref<8192x1024xf32, #tpu.memory_space<hbm>> -> memref<8192x1024xf32, #tpu.memory_space<hbm>>
    tpu.wait_indirect_dma semaphore(%arg11 : memref<!tpu.dma_semaphore, #tpu.memory_space<semaphore_mem>>) src(%dma_wait3A_69 : memref<8192x1024xf32, #tpu.memory_space<hbm>>) dst(%dma_wait3A_64 : memref<16x1024xf32, #tpu.memory_space<vmem>>)
    %add3A_70 = arith.constant 0 : i32
    %add3A_71 = arith.addi %mul3A_2, %add3A_70 : i32
    %run_scoped3A_72 = arith.constant 0 : i32
    "tpu.region"() ({
      %run_scoped3A_329 = tpu.sem_alloc : memref<!tpu.dma_semaphore, #tpu.memory_space<semaphore_mem>>
      %dma_start3A_330 = arith.constant 0 : i32
      %dma_start3A_331 = arith.constant 0 : i32
      %dma_start3A_332 = tpu.memref_slice %arg10[%run_scoped3A_72, %dma_start3A_330, %dma_start3A_331] : memref<5x16x1024xf32, #tpu.memory_space<vmem>> -> memref<1x16x1024xf32, #tpu.memory_space<vmem>>
      %dma_start3A_333 = tpu.memref_squeeze %dma_start3A_332 : memref<1x16x1024xf32, #tpu.memory_space<vmem>> -> memref<16x1024xf32, #tpu.memory_space<vmem>>
      %dma_start3A_334 = arith.constant 0 : i32
      %dma_start3A_335 = tpu.memref_slice %arg7[%add3A_71, %dma_start3A_334] : memref<4096x1024xf32, #tpu.memory_space<hbm>> -> memref<16x1024xf32, #tpu.memory_space<hbm>>
      %dma_start3A_336 = arith.constant 0 : i32
      %dma_start3A_337 = tpu.memref_slice %arg7[%add3A_71, %dma_start3A_336] : memref<4096x1024xf32, #tpu.memory_space<hbm>> -> memref<16x1024xf32, #tpu.memory_space<hbm>>
      %dma_start3A_338 = arith.constant 0 : i32
      %dma_start3A_339 = arith.constant 0 : i32
      %dma_start3A_340 = tpu.memref_slice %arg10[%run_scoped3A_72, %dma_start3A_338, %dma_start3A_339] : memref<5x16x1024xf32, #tpu.memory_space<vmem>> -> memref<1x16x1024xf32, #tpu.memory_space<vmem>>
      %dma_start3A_341 = tpu.memref_squeeze %dma_start3A_340 : memref<1x16x1024xf32, #tpu.memory_space<vmem>> -> memref<16x1024xf32, #tpu.memory_space<vmem>>
      tpu.enqueue_dma source(%dma_start3A_341 : memref<16x1024xf32, #tpu.memory_space<vmem>>) target(%dma_start3A_337 : memref<16x1024xf32, #tpu.memory_space<hbm>>) target_semaphore(%run_scoped3A_329 : memref<!tpu.dma_semaphore, #tpu.memory_space<semaphore_mem>>)
      %dma_wait3A_342 = arith.constant 0 : i32
      %dma_wait3A_343 = arith.constant 0 : i32
      %dma_wait3A_344 = tpu.memref_slice %arg10[%run_scoped3A_72, %dma_wait3A_342, %dma_wait3A_343] : memref<5x16x1024xf32, #tpu.memory_space<vmem>> -> memref<1x16x1024xf32, #tpu.memory_space<vmem>>
      %dma_wait3A_345 = tpu.memref_squeeze %dma_wait3A_344 : memref<1x16x1024xf32, #tpu.memory_space<vmem>> -> memref<16x1024xf32, #tpu.memory_space<vmem>>
      %dma_wait3A_346 = arith.constant 0 : i32
      %dma_wait3A_347 = tpu.memref_slice %arg7[%add3A_71, %dma_wait3A_346] : memref<4096x1024xf32, #tpu.memory_space<hbm>> -> memref<16x1024xf32, #tpu.memory_space<hbm>>
      %dma_wait3A_348 = arith.constant 0 : i32
      %dma_wait3A_349 = tpu.memref_slice %arg7[%add3A_71, %dma_wait3A_348] : memref<4096x1024xf32, #tpu.memory_space<hbm>> -> memref<16x1024xf32, #tpu.memory_space<hbm>>
      %dma_wait3A_350 = arith.constant 0 : i32
      %dma_wait3A_351 = arith.constant 0 : i32
      %dma_wait3A_352 = tpu.memref_slice %arg10[%run_scoped3A_72, %dma_wait3A_350, %dma_wait3A_351] : memref<5x16x1024xf32, #tpu.memory_space<vmem>> -> memref<1x16x1024xf32, #tpu.memory_space<vmem>>
      %dma_wait3A_353 = tpu.memref_squeeze %dma_wait3A_352 : memref<1x16x1024xf32, #tpu.memory_space<vmem>> -> memref<16x1024xf32, #tpu.memory_space<vmem>>
      tpu.wait_dma2 semaphore(%run_scoped3A_329 : memref<!tpu.dma_semaphore, #tpu.memory_space<semaphore_mem>>) src(%dma_wait3A_353 : memref<16x1024xf32, #tpu.memory_space<vmem>>) dst(%dma_wait3A_349 : memref<16x1024xf32, #tpu.memory_space<hbm>>)
      tpu.yield
    }) : () -> ()
    %dma_start3A_73 = arith.constant 0 : i32
    %dma_start3A_74 = arith.constant 0 : i32
    %dma_start3A_75 = arith.constant 0 : i32
    %dma_start3A_76 = tpu.memref_slice %arg10[%dma_start3A_73, %dma_start3A_74, %dma_start3A_75] : memref<5x16x1024xf32, #tpu.memory_space<vmem>> -> memref<1x16x1024xf32, #tpu.memory_space<vmem>>
    %dma_start3A_77 = tpu.memref_squeeze %dma_start3A_76 : memref<1x16x1024xf32, #tpu.memory_space<vmem>> -> memref<16x1024xf32, #tpu.memory_space<vmem>>
    %dma_start3A_78 = arith.constant 80 : i32
    %dma_start3A_79 = tpu.memref_slice %arg9[%dma_start3A_78] : memref<128xi32, #tpu.memory_space<vmem>> -> memref<16xi32, #tpu.memory_space<vmem>>
    %dma_start3A_80 = arith.constant 0 : i32
    %dma_start3A_81 = arith.constant 0 : i32
    %dma_start3A_82 = tpu.memref_slice %arg4[%dma_start3A_80, %dma_start3A_81] : memref<8192x1024xf32, #tpu.memory_space<hbm>> -> memref<8192x1024xf32, #tpu.memory_space<hbm>>
    tpu.enqueue_indirect_dma source(%dma_start3A_82 : memref<8192x1024xf32, #tpu.memory_space<hbm>>) target(%dma_start3A_77 : memref<16x1024xf32, #tpu.memory_space<vmem>>) offsets(%dma_start3A_79 : memref<16xi32, #tpu.memory_space<vmem>>) semaphore(%arg11 : memref<!tpu.dma_semaphore, #tpu.memory_space<semaphore_mem>>)
    %dma_wait3A_83 = arith.constant 1 : i32
    %dma_wait3A_84 = arith.constant 0 : i32
    %dma_wait3A_85 = arith.constant 0 : i32
    %dma_wait3A_86 = tpu.memref_slice %arg10[%dma_wait3A_83, %dma_wait3A_84, %dma_wait3A_85] : memref<5x16x1024xf32, #tpu.memory_space<vmem>> -> memref<1x16x1024xf32, #tpu.memory_space<vmem>>
    %dma_wait3A_87 = tpu.memref_squeeze %dma_wait3A_86 : memref<1x16x1024xf32, #tpu.memory_space<vmem>> -> memref<16x1024xf32, #tpu.memory_space<vmem>>
    %dma_wait3A_88 = arith.constant 16 : i32
    %dma_wait3A_89 = tpu.memref_slice %arg9[%dma_wait3A_88] : memref<128xi32, #tpu.memory_space<vmem>> -> memref<16xi32, #tpu.memory_space<vmem>>
    %dma_wait3A_90 = arith.constant 0 : i32
    %dma_wait3A_91 = arith.constant 0 : i32
    %dma_wait3A_92 = tpu.memref_slice %arg4[%dma_wait3A_90, %dma_wait3A_91] : memref<8192x1024xf32, #tpu.memory_space<hbm>> -> memref<8192x1024xf32, #tpu.memory_space<hbm>>
    tpu.wait_indirect_dma semaphore(%arg12 : memref<!tpu.dma_semaphore, #tpu.memory_space<semaphore_mem>>) src(%dma_wait3A_92 : memref<8192x1024xf32, #tpu.memory_space<hbm>>) dst(%dma_wait3A_87 : memref<16x1024xf32, #tpu.memory_space<vmem>>)
    %add3A_93 = arith.constant 16 : i32
    %add3A_94 = arith.addi %mul3A_2, %add3A_93 : i32
    %run_scoped3A_95 = arith.constant 1 : i32
    "tpu.region"() ({
      %run_scoped3A_329 = tpu.sem_alloc : memref<!tpu.dma_semaphore, #tpu.memory_space<semaphore_mem>>
      %dma_start3A_330 = arith.constant 0 : i32
      %dma_start3A_331 = arith.constant 0 : i32
      %dma_start3A_332 = tpu.memref_slice %arg10[%run_scoped3A_95, %dma_start3A_330, %dma_start3A_331] : memref<5x16x1024xf32, #tpu.memory_space<vmem>> -> memref<1x16x1024xf32, #tpu.memory_space<vmem>>
      %dma_start3A_333 = tpu.memref_squeeze %dma_start3A_332 : memref<1x16x1024xf32, #tpu.memory_space<vmem>> -> memref<16x1024xf32, #tpu.memory_space<vmem>>
      %dma_start3A_334 = arith.constant 0 : i32
      %dma_start3A_335 = tpu.memref_slice %arg7[%add3A_94, %dma_start3A_334] : memref<4096x1024xf32, #tpu.memory_space<hbm>> -> memref<16x1024xf32, #tpu.memory_space<hbm>>
      %dma_start3A_336 = arith.constant 0 : i32
      %dma_start3A_337 = tpu.memref_slice %arg7[%add3A_94, %dma_start3A_336] : memref<4096x1024xf32, #tpu.memory_space<hbm>> -> memref<16x1024xf32, #tpu.memory_space<hbm>>
      %dma_start3A_338 = arith.constant 0 : i32
      %dma_start3A_339 = arith.constant 0 : i32
      %dma_start3A_340 = tpu.memref_slice %arg10[%run_scoped3A_95, %dma_start3A_338, %dma_start3A_339] : memref<5x16x1024xf32, #tpu.memory_space<vmem>> -> memref<1x16x1024xf32, #tpu.memory_space<vmem>>
      %dma_start3A_341 = tpu.memref_squeeze %dma_start3A_340 : memref<1x16x1024xf32, #tpu.memory_space<vmem>> -> memref<16x1024xf32, #tpu.memory_space<vmem>>
      tpu.enqueue_dma source(%dma_start3A_341 : memref<16x1024xf32, #tpu.memory_space<vmem>>) target(%dma_start3A_337 : memref<16x1024xf32, #tpu.memory_space<hbm>>) target_semaphore(%run_scoped3A_329 : memref<!tpu.dma_semaphore, #tpu.memory_space<semaphore_mem>>)
      %dma_wait3A_342 = arith.constant 0 : i32
      %dma_wait3A_343 = arith.constant 0 : i32
      %dma_wait3A_344 = tpu.memref_slice %arg10[%run_scoped3A_95, %dma_wait3A_342, %dma_wait3A_343] : memref<5x16x1024xf32, #tpu.memory_space<vmem>> -> memref<1x16x1024xf32, #tpu.memory_space<vmem>>
      %dma_wait3A_345 = tpu.memref_squeeze %dma_wait3A_344 : memref<1x16x1024xf32, #tpu.memory_space<vmem>> -> memref<16x1024xf32, #tpu.memory_space<vmem>>
      %dma_wait3A_346 = arith.constant 0 : i32
      %dma_wait3A_347 = tpu.memref_slice %arg7[%add3A_94, %dma_wait3A_346] : memref<4096x1024xf32, #tpu.memory_space<hbm>> -> memref<16x1024xf32, #tpu.memory_space<hbm>>
      %dma_wait3A_348 = arith.constant 0 : i32
      %dma_wait3A_349 = tpu.memref_slice %arg7[%add3A_94, %dma_wait3A_348] : memref<4096x1024xf32, #tpu.memory_space<hbm>> -> memref<16x1024xf32, #tpu.memory_space<hbm>>
      %dma_wait3A_350 = arith.constant 0 : i32
      %dma_wait3A_351 = arith.constant 0 : i32
      %dma_wait3A_352 = tpu.memref_slice %arg10[%run_scoped3A_95, %dma_wait3A_350, %dma_wait3A_351] : memref<5x16x1024xf32, #tpu.memory_space<vmem>> -> memref<1x16x1024xf32, #tpu.memory_space<vmem>>
      %dma_wait3A_353 = tpu.memref_squeeze %dma_wait3A_352 : memref<1x16x1024xf32, #tpu.memory_space<vmem>> -> memref<16x1024xf32, #tpu.memory_space<vmem>>
      tpu.wait_dma2 semaphore(%run_scoped3A_329 : memref<!tpu.dma_semaphore, #tpu.memory_space<semaphore_mem>>) src(%dma_wait3A_353 : memref<16x1024xf32, #tpu.memory_space<vmem>>) dst(%dma_wait3A_349 : memref<16x1024xf32, #tpu.memory_space<hbm>>)
      tpu.yield
    }) : () -> ()
    %dma_start3A_96 = arith.constant 1 : i32
    %dma_start3A_97 = arith.constant 0 : i32
    %dma_start3A_98 = arith.constant 0 : i32
    %dma_start3A_99 = tpu.memref_slice %arg10[%dma_start3A_96, %dma_start3A_97, %dma_start3A_98] : memref<5x16x1024xf32, #tpu.memory_space<vmem>> -> memref<1x16x1024xf32, #tpu.memory_space<vmem>>
    %dma_start3A_100 = tpu.memref_squeeze %dma_start3A_99 : memref<1x16x1024xf32, #tpu.memory_space<vmem>> -> memref<16x1024xf32, #tpu.memory_space<vmem>>
    %dma_start3A_101 = arith.constant 96 : i32
    %dma_start3A_102 = tpu.memref_slice %arg9[%dma_start3A_101] : memref<128xi32, #tpu.memory_space<vmem>> -> memref<16xi32, #tpu.memory_space<vmem>>
    %dma_start3A_103 = arith.constant 0 : i32
    %dma_start3A_104 = arith.constant 0 : i32
    %dma_start3A_105 = tpu.memref_slice %arg4[%dma_start3A_103, %dma_start3A_104] : memref<8192x1024xf32, #tpu.memory_space<hbm>> -> memref<8192x1024xf32, #tpu.memory_space<hbm>>
    tpu.enqueue_indirect_dma source(%dma_start3A_105 : memref<8192x1024xf32, #tpu.memory_space<hbm>>) target(%dma_start3A_100 : memref<16x1024xf32, #tpu.memory_space<vmem>>) offsets(%dma_start3A_102 : memref<16xi32, #tpu.memory_space<vmem>>) semaphore(%arg12 : memref<!tpu.dma_semaphore, #tpu.memory_space<semaphore_mem>>)
    %dma_wait3A_106 = arith.constant 2 : i32
    %dma_wait3A_107 = arith.constant 0 : i32
    %dma_wait3A_108 = arith.constant 0 : i32
    %dma_wait3A_109 = tpu.memref_slice %arg10[%dma_wait3A_106, %dma_wait3A_107, %dma_wait3A_108] : memref<5x16x1024xf32, #tpu.memory_space<vmem>> -> memref<1x16x1024xf32, #tpu.memory_space<vmem>>
    %dma_wait3A_110 = tpu.memref_squeeze %dma_wait3A_109 : memref<1x16x1024xf32, #tpu.memory_space<vmem>> -> memref<16x1024xf32, #tpu.memory_space<vmem>>
    %dma_wait3A_111 = arith.constant 32 : i32
    %dma_wait3A_112 = tpu.memref_slice %arg9[%dma_wait3A_111] : memref<128xi32, #tpu.memory_space<vmem>> -> memref<16xi32, #tpu.memory_space<vmem>>
    %dma_wait3A_113 = arith.constant 0 : i32
    %dma_wait3A_114 = arith.constant 0 : i32
    %dma_wait3A_115 = tpu.memref_slice %arg4[%dma_wait3A_113, %dma_wait3A_114] : memref<8192x1024xf32, #tpu.memory_space<hbm>> -> memref<8192x1024xf32, #tpu.memory_space<hbm>>
    tpu.wait_indirect_dma semaphore(%arg13 : memref<!tpu.dma_semaphore, #tpu.memory_space<semaphore_mem>>) src(%dma_wait3A_115 : memref<8192x1024xf32, #tpu.memory_space<hbm>>) dst(%dma_wait3A_110 : memref<16x1024xf32, #tpu.memory_space<vmem>>)
    %add3A_116 = arith.constant 32 : i32
    %add3A_117 = arith.addi %mul3A_2, %add3A_116 : i32
    %run_scoped3A_118 = arith.constant 2 : i32
    "tpu.region"() ({
      %run_scoped3A_329 = tpu.sem_alloc : memref<!tpu.dma_semaphore, #tpu.memory_space<semaphore_mem>>
      %dma_start3A_330 = arith.constant 0 : i32
      %dma_start3A_331 = arith.constant 0 : i32
      %dma_start3A_332 = tpu.memref_slice %arg10[%run_scoped3A_118, %dma_start3A_330, %dma_start3A_331] : memref<5x16x1024xf32, #tpu.memory_space<vmem>> -> memref<1x16x1024xf32, #tpu.memory_space<vmem>>
      %dma_start3A_333 = tpu.memref_squeeze %dma_start3A_332 : memref<1x16x1024xf32, #tpu.memory_space<vmem>> -> memref<16x1024xf32, #tpu.memory_space<vmem>>
      %dma_start3A_334 = arith.constant 0 : i32
      %dma_start3A_335 = tpu.memref_slice %arg7[%add3A_117, %dma_start3A_334] : memref<4096x1024xf32, #tpu.memory_space<hbm>> -> memref<16x1024xf32, #tpu.memory_space<hbm>>
      %dma_start3A_336 = arith.constant 0 : i32
      %dma_start3A_337 = tpu.memref_slice %arg7[%add3A_117, %dma_start3A_336] : memref<4096x1024xf32, #tpu.memory_space<hbm>> -> memref<16x1024xf32, #tpu.memory_space<hbm>>
      %dma_start3A_338 = arith.constant 0 : i32
      %dma_start3A_339 = arith.constant 0 : i32
      %dma_start3A_340 = tpu.memref_slice %arg10[%run_scoped3A_118, %dma_start3A_338, %dma_start3A_339] : memref<5x16x1024xf32, #tpu.memory_space<vmem>> -> memref<1x16x1024xf32, #tpu.memory_space<vmem>>
      %dma_start3A_341 = tpu.memref_squeeze %dma_start3A_340 : memref<1x16x1024xf32, #tpu.memory_space<vmem>> -> memref<16x1024xf32, #tpu.memory_space<vmem>>
      tpu.enqueue_dma source(%dma_start3A_341 : memref<16x1024xf32, #tpu.memory_space<vmem>>) target(%dma_start3A_337 : memref<16x1024xf32, #tpu.memory_space<hbm>>) target_semaphore(%run_scoped3A_329 : memref<!tpu.dma_semaphore, #tpu.memory_space<semaphore_mem>>)
      %dma_wait3A_342 = arith.constant 0 : i32
      %dma_wait3A_343 = arith.constant 0 : i32
      %dma_wait3A_344 = tpu.memref_slice %arg10[%run_scoped3A_118, %dma_wait3A_342, %dma_wait3A_343] : memref<5x16x1024xf32, #tpu.memory_space<vmem>> -> memref<1x16x1024xf32, #tpu.memory_space<vmem>>
      %dma_wait3A_345 = tpu.memref_squeeze %dma_wait3A_344 : memref<1x16x1024xf32, #tpu.memory_space<vmem>> -> memref<16x1024xf32, #tpu.memory_space<vmem>>
      %dma_wait3A_346 = arith.constant 0 : i32
      %dma_wait3A_347 = tpu.memref_slice %arg7[%add3A_117, %dma_wait3A_346] : memref<4096x1024xf32, #tpu.memory_space<hbm>> -> memref<16x1024xf32, #tpu.memory_space<hbm>>
      %dma_wait3A_348 = arith.constant 0 : i32
      %dma_wait3A_349 = tpu.memref_slice %arg7[%add3A_117, %dma_wait3A_348] : memref<4096x1024xf32, #tpu.memory_space<hbm>> -> memref<16x1024xf32, #tpu.memory_space<hbm>>
      %dma_wait3A_350 = arith.constant 0 : i32
      %dma_wait3A_351 = arith.constant 0 : i32
      %dma_wait3A_352 = tpu.memref_slice %arg10[%run_scoped3A_118, %dma_wait3A_350, %dma_wait3A_351] : memref<5x16x1024xf32, #tpu.memory_space<vmem>> -> memref<1x16x1024xf32, #tpu.memory_space<vmem>>
      %dma_wait3A_353 = tpu.memref_squeeze %dma_wait3A_352 : memref<1x16x1024xf32, #tpu.memory_space<vmem>> -> memref<16x1024xf32, #tpu.memory_space<vmem>>
      tpu.wait_dma2 semaphore(%run_scoped3A_329 : memref<!tpu.dma_semaphore, #tpu.memory_space<semaphore_mem>>) src(%dma_wait3A_353 : memref<16x1024xf32, #tpu.memory_space<vmem>>) dst(%dma_wait3A_349 : memref<16x1024xf32, #tpu.memory_space<hbm>>)
      tpu.yield
    }) : () -> ()
    %dma_start3A_119 = arith.constant 2 : i32
    %dma_start3A_120 = arith.constant 0 : i32
    %dma_start3A_121 = arith.constant 0 : i32
    %dma_start3A_122 = tpu.memref_slice %arg10[%dma_start3A_119, %dma_start3A_120, %dma_start3A_121] : memref<5x16x1024xf32, #tpu.memory_space<vmem>> -> memref<1x16x1024xf32, #tpu.memory_space<vmem>>
    %dma_start3A_123 = tpu.memref_squeeze %dma_start3A_122 : memref<1x16x1024xf32, #tpu.memory_space<vmem>> -> memref<16x1024xf32, #tpu.memory_space<vmem>>
    %dma_start3A_124 = arith.constant 112 : i32
    %dma_start3A_125 = tpu.memref_slice %arg9[%dma_start3A_124] : memref<128xi32, #tpu.memory_space<vmem>> -> memref<16xi32, #tpu.memory_space<vmem>>
    %dma_start3A_126 = arith.constant 0 : i32
    %dma_start3A_127 = arith.constant 0 : i32
    %dma_start3A_128 = tpu.memref_slice %arg4[%dma_start3A_126, %dma_start3A_127] : memref<8192x1024xf32, #tpu.memory_space<hbm>> -> memref<8192x1024xf32, #tpu.memory_space<hbm>>
    tpu.enqueue_indirect_dma source(%dma_start3A_128 : memref<8192x1024xf32, #tpu.memory_space<hbm>>) target(%dma_start3A_123 : memref<16x1024xf32, #tpu.memory_space<vmem>>) offsets(%dma_start3A_125 : memref<16xi32, #tpu.memory_space<vmem>>) semaphore(%arg13 : memref<!tpu.dma_semaphore, #tpu.memory_space<semaphore_mem>>)
    %dma_wait3A_129 = arith.constant 3 : i32
    %dma_wait3A_130 = arith.constant 0 : i32
    %dma_wait3A_131 = arith.constant 0 : i32
    %dma_wait3A_132 = tpu.memref_slice %arg10[%dma_wait3A_129, %dma_wait3A_130, %dma_wait3A_131] : memref<5x16x1024xf32, #tpu.memory_space<vmem>> -> memref<1x16x1024xf32, #tpu.memory_space<vmem>>
    %dma_wait3A_133 = tpu.memref_squeeze %dma_wait3A_132 : memref<1x16x1024xf32, #tpu.memory_space<vmem>> -> memref<16x1024xf32, #tpu.memory_space<vmem>>
    %dma_wait3A_134 = arith.constant 48 : i32
    %dma_wait3A_135 = tpu.memref_slice %arg9[%dma_wait3A_134] : memref<128xi32, #tpu.memory_space<vmem>> -> memref<16xi32, #tpu.memory_space<vmem>>
    %dma_wait3A_136 = arith.constant 0 : i32
    %dma_wait3A_137 = arith.constant 0 : i32
    %dma_wait3A_138 = tpu.memref_slice %arg4[%dma_wait3A_136, %dma_wait3A_137] : memref<8192x1024xf32, #tpu.memory_space<hbm>> -> memref<8192x1024xf32, #tpu.memory_space<hbm>>
    tpu.wait_indirect_dma semaphore(%arg14 : memref<!tpu.dma_semaphore, #tpu.memory_space<semaphore_mem>>) src(%dma_wait3A_138 : memref<8192x1024xf32, #tpu.memory_space<hbm>>) dst(%dma_wait3A_133 : memref<16x1024xf32, #tpu.memory_space<vmem>>)
    %add3A_139 = arith.constant 48 : i32
    %add3A_140 = arith.addi %mul3A_2, %add3A_139 : i32
    %dma_start3A_141 = arith.constant 3 : i32
    %dma_start3A_142 = arith.constant 0 : i32
    %dma_start3A_143 = arith.constant 0 : i32
    %dma_start3A_144 = tpu.memref_slice %arg10[%dma_start3A_141, %dma_start3A_142, %dma_start3A_143] : memref<5x16x1024xf32, #tpu.memory_space<vmem>> -> memref<1x16x1024xf32, #tpu.memory_space<vmem>>
    %dma_start3A_145 = tpu.memref_squeeze %dma_start3A_144 : memref<1x16x1024xf32, #tpu.memory_space<vmem>> -> memref<16x1024xf32, #tpu.memory_space<vmem>>
    %dma_start3A_146 = arith.constant 0 : i32
    %dma_start3A_147 = tpu.memref_slice %arg7[%add3A_140, %dma_start3A_146] : memref<4096x1024xf32, #tpu.memory_space<hbm>> -> memref<16x1024xf32, #tpu.memory_space<hbm>>
    %dma_start3A_148 = arith.constant 0 : i32
    %dma_start3A_149 = tpu.memref_slice %arg7[%add3A_140, %dma_start3A_148] : memref<4096x1024xf32, #tpu.memory_space<hbm>> -> memref<16x1024xf32, #tpu.memory_space<hbm>>
    %dma_start3A_150 = arith.constant 0 : i32
    %dma_start3A_151 = arith.constant 0 : i32
    %dma_start3A_152 = tpu.memref_slice %arg10[%dma_start3A_141, %dma_start3A_150, %dma_start3A_151] : memref<5x16x1024xf32, #tpu.memory_space<vmem>> -> memref<1x16x1024xf32, #tpu.memory_space<vmem>>
    %dma_start3A_153 = tpu.memref_squeeze %dma_start3A_152 : memref<1x16x1024xf32, #tpu.memory_space<vmem>> -> memref<16x1024xf32, #tpu.memory_space<vmem>>
    tpu.enqueue_dma source(%dma_start3A_153 : memref<16x1024xf32, #tpu.memory_space<vmem>>) target(%dma_start3A_149 : memref<16x1024xf32, #tpu.memory_space<hbm>>) target_semaphore(%arg16 : memref<!tpu.dma_semaphore, #tpu.memory_space<semaphore_mem>>)
    %dma_wait3A_154 = arith.constant 4 : i32
    %dma_wait3A_155 = arith.constant 0 : i32
    %dma_wait3A_156 = arith.constant 0 : i32
    %dma_wait3A_157 = tpu.memref_slice %arg10[%dma_wait3A_154, %dma_wait3A_155, %dma_wait3A_156] : memref<5x16x1024xf32, #tpu.memory_space<vmem>> -> memref<1x16x1024xf32, #tpu.memory_space<vmem>>
    %dma_wait3A_158 = tpu.memref_squeeze %dma_wait3A_157 : memref<1x16x1024xf32, #tpu.memory_space<vmem>> -> memref<16x1024xf32, #tpu.memory_space<vmem>>
    %dma_wait3A_159 = arith.constant 64 : i32
    %dma_wait3A_160 = tpu.memref_slice %arg9[%dma_wait3A_159] : memref<128xi32, #tpu.memory_space<vmem>> -> memref<16xi32, #tpu.memory_space<vmem>>
    %dma_wait3A_161 = arith.constant 0 : i32
    %dma_wait3A_162 = arith.constant 0 : i32
    %dma_wait3A_163 = tpu.memref_slice %arg4[%dma_wait3A_161, %dma_wait3A_162] : memref<8192x1024xf32, #tpu.memory_space<hbm>> -> memref<8192x1024xf32, #tpu.memory_space<hbm>>
    tpu.wait_indirect_dma semaphore(%arg15 : memref<!tpu.dma_semaphore, #tpu.memory_space<semaphore_mem>>) src(%dma_wait3A_163 : memref<8192x1024xf32, #tpu.memory_space<hbm>>) dst(%dma_wait3A_158 : memref<16x1024xf32, #tpu.memory_space<vmem>>)
    %add3A_164 = arith.constant 64 : i32
    %add3A_165 = arith.addi %mul3A_2, %add3A_164 : i32
    %dma_start3A_166 = arith.constant 4 : i32
    %dma_start3A_167 = arith.constant 0 : i32
    %dma_start3A_168 = arith.constant 0 : i32
    %dma_start3A_169 = tpu.memref_slice %arg10[%dma_start3A_166, %dma_start3A_167, %dma_start3A_168] : memref<5x16x1024xf32, #tpu.memory_space<vmem>> -> memref<1x16x1024xf32, #tpu.memory_space<vmem>>
    %dma_start3A_170 = tpu.memref_squeeze %dma_start3A_169 : memref<1x16x1024xf32, #tpu.memory_space<vmem>> -> memref<16x1024xf32, #tpu.memory_space<vmem>>
    %dma_start3A_171 = arith.constant 0 : i32
    %dma_start3A_172 = tpu.memref_slice %arg7[%add3A_165, %dma_start3A_171] : memref<4096x1024xf32, #tpu.memory_space<hbm>> -> memref<16x1024xf32, #tpu.memory_space<hbm>>
    %dma_start3A_173 = arith.constant 0 : i32
    %dma_start3A_174 = tpu.memref_slice %arg7[%add3A_165, %dma_start3A_173] : memref<4096x1024xf32, #tpu.memory_space<hbm>> -> memref<16x1024xf32, #tpu.memory_space<hbm>>
    %dma_start3A_175 = arith.constant 0 : i32
    %dma_start3A_176 = arith.constant 0 : i32
    %dma_start3A_177 = tpu.memref_slice %arg10[%dma_start3A_166, %dma_start3A_175, %dma_start3A_176] : memref<5x16x1024xf32, #tpu.memory_space<vmem>> -> memref<1x16x1024xf32, #tpu.memory_space<vmem>>
    %dma_start3A_178 = tpu.memref_squeeze %dma_start3A_177 : memref<1x16x1024xf32, #tpu.memory_space<vmem>> -> memref<16x1024xf32, #tpu.memory_space<vmem>>
    tpu.enqueue_dma source(%dma_start3A_178 : memref<16x1024xf32, #tpu.memory_space<vmem>>) target(%dma_start3A_174 : memref<16x1024xf32, #tpu.memory_space<hbm>>) target_semaphore(%arg16 : memref<!tpu.dma_semaphore, #tpu.memory_space<semaphore_mem>>)
    %dma_wait3A_179 = arith.constant 0 : i32
    %dma_wait3A_180 = arith.constant 0 : i32
    %dma_wait3A_181 = arith.constant 0 : i32
    %dma_wait3A_182 = tpu.memref_slice %arg10[%dma_wait3A_179, %dma_wait3A_180, %dma_wait3A_181] : memref<5x16x1024xf32, #tpu.memory_space<vmem>> -> memref<1x16x1024xf32, #tpu.memory_space<vmem>>
    %dma_wait3A_183 = tpu.memref_squeeze %dma_wait3A_182 : memref<1x16x1024xf32, #tpu.memory_space<vmem>> -> memref<16x1024xf32, #tpu.memory_space<vmem>>
    %dma_wait3A_184 = arith.constant 80 : i32
    %dma_wait3A_185 = tpu.memref_slice %arg9[%dma_wait3A_184] : memref<128xi32, #tpu.memory_space<vmem>> -> memref<16xi32, #tpu.memory_space<vmem>>
    %dma_wait3A_186 = arith.constant 0 : i32
    %dma_wait3A_187 = arith.constant 0 : i32
    %dma_wait3A_188 = tpu.memref_slice %arg4[%dma_wait3A_186, %dma_wait3A_187] : memref<8192x1024xf32, #tpu.memory_space<hbm>> -> memref<8192x1024xf32, #tpu.memory_space<hbm>>
    tpu.wait_indirect_dma semaphore(%arg11 : memref<!tpu.dma_semaphore, #tpu.memory_space<semaphore_mem>>) src(%dma_wait3A_188 : memref<8192x1024xf32, #tpu.memory_space<hbm>>) dst(%dma_wait3A_183 : memref<16x1024xf32, #tpu.memory_space<vmem>>)
    %add3A_189 = arith.constant 80 : i32
    %add3A_190 = arith.addi %mul3A_2, %add3A_189 : i32
    %dma_start3A_191 = arith.constant 0 : i32
    %dma_start3A_192 = arith.constant 0 : i32
    %dma_start3A_193 = arith.constant 0 : i32
    %dma_start3A_194 = tpu.memref_slice %arg10[%dma_start3A_191, %dma_start3A_192, %dma_start3A_193] : memref<5x16x1024xf32, #tpu.memory_space<vmem>> -> memref<1x16x1024xf32, #tpu.memory_space<vmem>>
    %dma_start3A_195 = tpu.memref_squeeze %dma_start3A_194 : memref<1x16x1024xf32, #tpu.memory_space<vmem>> -> memref<16x1024xf32, #tpu.memory_space<vmem>>
    %dma_start3A_196 = arith.constant 0 : i32
    %dma_start3A_197 = tpu.memref_slice %arg7[%add3A_190, %dma_start3A_196] : memref<4096x1024xf32, #tpu.memory_space<hbm>> -> memref<16x1024xf32, #tpu.memory_space<hbm>>
    %dma_start3A_198 = arith.constant 0 : i32
    %dma_start3A_199 = tpu.memref_slice %arg7[%add3A_190, %dma_start3A_198] : memref<4096x1024xf32, #tpu.memory_space<hbm>> -> memref<16x1024xf32, #tpu.memory_space<hbm>>
    %dma_start3A_200 = arith.constant 0 : i32
    %dma_start3A_201 = arith.constant 0 : i32
    %dma_start3A_202 = tpu.memref_slice %arg10[%dma_start3A_191, %dma_start3A_200, %dma_start3A_201] : memref<5x16x1024xf32, #tpu.memory_space<vmem>> -> memref<1x16x1024xf32, #tpu.memory_space<vmem>>
    %dma_start3A_203 = tpu.memref_squeeze %dma_start3A_202 : memref<1x16x1024xf32, #tpu.memory_space<vmem>> -> memref<16x1024xf32, #tpu.memory_space<vmem>>
    tpu.enqueue_dma source(%dma_start3A_203 : memref<16x1024xf32, #tpu.memory_space<vmem>>) target(%dma_start3A_199 : memref<16x1024xf32, #tpu.memory_space<hbm>>) target_semaphore(%arg16 : memref<!tpu.dma_semaphore, #tpu.memory_space<semaphore_mem>>)
    %dma_wait3A_204 = arith.constant 1 : i32
    %dma_wait3A_205 = arith.constant 0 : i32
    %dma_wait3A_206 = arith.constant 0 : i32
    %dma_wait3A_207 = tpu.memref_slice %arg10[%dma_wait3A_204, %dma_wait3A_205, %dma_wait3A_206] : memref<5x16x1024xf32, #tpu.memory_space<vmem>> -> memref<1x16x1024xf32, #tpu.memory_space<vmem>>
    %dma_wait3A_208 = tpu.memref_squeeze %dma_wait3A_207 : memref<1x16x1024xf32, #tpu.memory_space<vmem>> -> memref<16x1024xf32, #tpu.memory_space<vmem>>
    %dma_wait3A_209 = arith.constant 96 : i32
    %dma_wait3A_210 = tpu.memref_slice %arg9[%dma_wait3A_209] : memref<128xi32, #tpu.memory_space<vmem>> -> memref<16xi32, #tpu.memory_space<vmem>>
    %dma_wait3A_211 = arith.constant 0 : i32
    %dma_wait3A_212 = arith.constant 0 : i32
    %dma_wait3A_213 = tpu.memref_slice %arg4[%dma_wait3A_211, %dma_wait3A_212] : memref<8192x1024xf32, #tpu.memory_space<hbm>> -> memref<8192x1024xf32, #tpu.memory_space<hbm>>
    tpu.wait_indirect_dma semaphore(%arg12 : memref<!tpu.dma_semaphore, #tpu.memory_space<semaphore_mem>>) src(%dma_wait3A_213 : memref<8192x1024xf32, #tpu.memory_space<hbm>>) dst(%dma_wait3A_208 : memref<16x1024xf32, #tpu.memory_space<vmem>>)
    %add3A_214 = arith.constant 96 : i32
    %add3A_215 = arith.addi %mul3A_2, %add3A_214 : i32
    %dma_start3A_216 = arith.constant 1 : i32
    %dma_start3A_217 = arith.constant 0 : i32
    %dma_start3A_218 = arith.constant 0 : i32
    %dma_start3A_219 = tpu.memref_slice %arg10[%dma_start3A_216, %dma_start3A_217, %dma_start3A_218] : memref<5x16x1024xf32, #tpu.memory_space<vmem>> -> memref<1x16x1024xf32, #tpu.memory_space<vmem>>
    %dma_start3A_220 = tpu.memref_squeeze %dma_start3A_219 : memref<1x16x1024xf32, #tpu.memory_space<vmem>> -> memref<16x1024xf32, #tpu.memory_space<vmem>>
    %dma_start3A_221 = arith.constant 0 : i32
    %dma_start3A_222 = tpu.memref_slice %arg7[%add3A_215, %dma_start3A_221] : memref<4096x1024xf32, #tpu.memory_space<hbm>> -> memref<16x1024xf32, #tpu.memory_space<hbm>>
    %dma_start3A_223 = arith.constant 0 : i32
    %dma_start3A_224 = tpu.memref_slice %arg7[%add3A_215, %dma_start3A_223] : memref<4096x1024xf32, #tpu.memory_space<hbm>> -> memref<16x1024xf32, #tpu.memory_space<hbm>>
    %dma_start3A_225 = arith.constant 0 : i32
    %dma_start3A_226 = arith.constant 0 : i32
    %dma_start3A_227 = tpu.memref_slice %arg10[%dma_start3A_216, %dma_start3A_225, %dma_start3A_226] : memref<5x16x1024xf32, #tpu.memory_space<vmem>> -> memref<1x16x1024xf32, #tpu.memory_space<vmem>>
    %dma_start3A_228 = tpu.memref_squeeze %dma_start3A_227 : memref<1x16x1024xf32, #tpu.memory_space<vmem>> -> memref<16x1024xf32, #tpu.memory_space<vmem>>
    tpu.enqueue_dma source(%dma_start3A_228 : memref<16x1024xf32, #tpu.memory_space<vmem>>) target(%dma_start3A_224 : memref<16x1024xf32, #tpu.memory_space<hbm>>) target_semaphore(%arg16 : memref<!tpu.dma_semaphore, #tpu.memory_space<semaphore_mem>>)
    %dma_wait3A_229 = arith.constant 2 : i32
    %dma_wait3A_230 = arith.constant 0 : i32
    %dma_wait3A_231 = arith.constant 0 : i32
    %dma_wait3A_232 = tpu.memref_slice %arg10[%dma_wait3A_229, %dma_wait3A_230, %dma_wait3A_231] : memref<5x16x1024xf32, #tpu.memory_space<vmem>> -> memref<1x16x1024xf32, #tpu.memory_space<vmem>>
    %dma_wait3A_233 = tpu.memref_squeeze %dma_wait3A_232 : memref<1x16x1024xf32, #tpu.memory_space<vmem>> -> memref<16x1024xf32, #tpu.memory_space<vmem>>
    %dma_wait3A_234 = arith.constant 112 : i32
    %dma_wait3A_235 = tpu.memref_slice %arg9[%dma_wait3A_234] : memref<128xi32, #tpu.memory_space<vmem>> -> memref<16xi32, #tpu.memory_space<vmem>>
    %dma_wait3A_236 = arith.constant 0 : i32
    %dma_wait3A_237 = arith.constant 0 : i32
    %dma_wait3A_238 = tpu.memref_slice %arg4[%dma_wait3A_236, %dma_wait3A_237] : memref<8192x1024xf32, #tpu.memory_space<hbm>> -> memref<8192x1024xf32, #tpu.memory_space<hbm>>
    tpu.wait_indirect_dma semaphore(%arg13 : memref<!tpu.dma_semaphore, #tpu.memory_space<semaphore_mem>>) src(%dma_wait3A_238 : memref<8192x1024xf32, #tpu.memory_space<hbm>>) dst(%dma_wait3A_233 : memref<16x1024xf32, #tpu.memory_space<vmem>>)
    %add3A_239 = arith.constant 112 : i32
    %add3A_240 = arith.addi %mul3A_2, %add3A_239 : i32
    %dma_start3A_241 = arith.constant 2 : i32
    %dma_start3A_242 = arith.constant 0 : i32
    %dma_start3A_243 = arith.constant 0 : i32
    %dma_start3A_244 = tpu.memref_slice %arg10[%dma_start3A_241, %dma_start3A_242, %dma_start3A_243] : memref<5x16x1024xf32, #tpu.memory_space<vmem>> -> memref<1x16x1024xf32, #tpu.memory_space<vmem>>
    %dma_start3A_245 = tpu.memref_squeeze %dma_start3A_244 : memref<1x16x1024xf32, #tpu.memory_space<vmem>> -> memref<16x1024xf32, #tpu.memory_space<vmem>>
    %dma_start3A_246 = arith.constant 0 : i32
    %dma_start3A_247 = tpu.memref_slice %arg7[%add3A_240, %dma_start3A_246] : memref<4096x1024xf32, #tpu.memory_space<hbm>> -> memref<16x1024xf32, #tpu.memory_space<hbm>>
    %dma_start3A_248 = arith.constant 0 : i32
    %dma_start3A_249 = tpu.memref_slice %arg7[%add3A_240, %dma_start3A_248] : memref<4096x1024xf32, #tpu.memory_space<hbm>> -> memref<16x1024xf32, #tpu.memory_space<hbm>>
    %dma_start3A_250 = arith.constant 0 : i32
    %dma_start3A_251 = arith.constant 0 : i32
    %dma_start3A_252 = tpu.memref_slice %arg10[%dma_start3A_241, %dma_start3A_250, %dma_start3A_251] : memref<5x16x1024xf32, #tpu.memory_space<vmem>> -> memref<1x16x1024xf32, #tpu.memory_space<vmem>>
    %dma_start3A_253 = tpu.memref_squeeze %dma_start3A_252 : memref<1x16x1024xf32, #tpu.memory_space<vmem>> -> memref<16x1024xf32, #tpu.memory_space<vmem>>
    tpu.enqueue_dma source(%dma_start3A_253 : memref<16x1024xf32, #tpu.memory_space<vmem>>) target(%dma_start3A_249 : memref<16x1024xf32, #tpu.memory_space<hbm>>) target_semaphore(%arg16 : memref<!tpu.dma_semaphore, #tpu.memory_space<semaphore_mem>>)
    %add3A_254 = arith.constant 48 : i32
    %add3A_255 = arith.addi %mul3A_2, %add3A_254 : i32
    %dma_wait3A_256 = arith.constant 3 : i32
    %dma_wait3A_257 = arith.constant 0 : i32
    %dma_wait3A_258 = arith.constant 0 : i32
    %dma_wait3A_259 = tpu.memref_slice %arg10[%dma_wait3A_256, %dma_wait3A_257, %dma_wait3A_258] : memref<5x16x1024xf32, #tpu.memory_space<vmem>> -> memref<1x16x1024xf32, #tpu.memory_space<vmem>>
    %dma_wait3A_260 = tpu.memref_squeeze %dma_wait3A_259 : memref<1x16x1024xf32, #tpu.memory_space<vmem>> -> memref<16x1024xf32, #tpu.memory_space<vmem>>
    %dma_wait3A_261 = arith.constant 0 : i32
    %dma_wait3A_262 = tpu.memref_slice %arg7[%add3A_255, %dma_wait3A_261] : memref<4096x1024xf32, #tpu.memory_space<hbm>> -> memref<16x1024xf32, #tpu.memory_space<hbm>>
    %dma_wait3A_263 = arith.constant 0 : i32
    %dma_wait3A_264 = tpu.memref_slice %arg7[%add3A_255, %dma_wait3A_263] : memref<4096x1024xf32, #tpu.memory_space<hbm>> -> memref<16x1024xf32, #tpu.memory_space<hbm>>
    %dma_wait3A_265 = arith.constant 0 : i32
    %dma_wait3A_266 = arith.constant 0 : i32
    %dma_wait3A_267 = tpu.memref_slice %arg10[%dma_wait3A_256, %dma_wait3A_265, %dma_wait3A_266] : memref<5x16x1024xf32, #tpu.memory_space<vmem>> -> memref<1x16x1024xf32, #tpu.memory_space<vmem>>
    %dma_wait3A_268 = tpu.memref_squeeze %dma_wait3A_267 : memref<1x16x1024xf32, #tpu.memory_space<vmem>> -> memref<16x1024xf32, #tpu.memory_space<vmem>>
    tpu.wait_dma2 semaphore(%arg16 : memref<!tpu.dma_semaphore, #tpu.memory_space<semaphore_mem>>) src(%dma_wait3A_268 : memref<16x1024xf32, #tpu.memory_space<vmem>>) dst(%dma_wait3A_264 : memref<16x1024xf32, #tpu.memory_space<hbm>>)
    %add3A_269 = arith.constant 64 : i32
    %add3A_270 = arith.addi %mul3A_2, %add3A_269 : i32
    %dma_wait3A_271 = arith.constant 4 : i32
    %dma_wait3A_272 = arith.constant 0 : i32
    %dma_wait3A_273 = arith.constant 0 : i32
    %dma_wait3A_274 = tpu.memref_slice %arg10[%dma_wait3A_271, %dma_wait3A_272, %dma_wait3A_273] : memref<5x16x1024xf32, #tpu.memory_space<vmem>> -> memref<1x16x1024xf32, #tpu.memory_space<vmem>>
    %dma_wait3A_275 = tpu.memref_squeeze %dma_wait3A_274 : memref<1x16x1024xf32, #tpu.memory_space<vmem>> -> memref<16x1024xf32, #tpu.memory_space<vmem>>
    %dma_wait3A_276 = arith.constant 0 : i32
    %dma_wait3A_277 = tpu.memref_slice %arg7[%add3A_270, %dma_wait3A_276] : memref<4096x1024xf32, #tpu.memory_space<hbm>> -> memref<16x1024xf32, #tpu.memory_space<hbm>>
    %dma_wait3A_278 = arith.constant 0 : i32
    %dma_wait3A_279 = tpu.memref_slice %arg7[%add3A_270, %dma_wait3A_278] : memref<4096x1024xf32, #tpu.memory_space<hbm>> -> memref<16x1024xf32, #tpu.memory_space<hbm>>
    %dma_wait3A_280 = arith.constant 0 : i32
    %dma_wait3A_281 = arith.constant 0 : i32
    %dma_wait3A_282 = tpu.memref_slice %arg10[%dma_wait3A_271, %dma_wait3A_280, %dma_wait3A_281] : memref<5x16x1024xf32, #tpu.memory_space<vmem>> -> memref<1x16x1024xf32, #tpu.memory_space<vmem>>
    %dma_wait3A_283 = tpu.memref_squeeze %dma_wait3A_282 : memref<1x16x1024xf32, #tpu.memory_space<vmem>> -> memref<16x1024xf32, #tpu.memory_space<vmem>>
    tpu.wait_dma2 semaphore(%arg16 : memref<!tpu.dma_semaphore, #tpu.memory_space<semaphore_mem>>) src(%dma_wait3A_283 : memref<16x1024xf32, #tpu.memory_space<vmem>>) dst(%dma_wait3A_279 : memref<16x1024xf32, #tpu.memory_space<hbm>>)
    %add3A_284 = arith.constant 80 : i32
    %add3A_285 = arith.addi %mul3A_2, %add3A_284 : i32
    %dma_wait3A_286 = arith.constant 0 : i32
    %dma_wait3A_287 = arith.constant 0 : i32
    %dma_wait3A_288 = arith.constant 0 : i32
    %dma_wait3A_289 = tpu.memref_slice %arg10[%dma_wait3A_286, %dma_wait3A_287, %dma_wait3A_288] : memref<5x16x1024xf32, #tpu.memory_space<vmem>> -> memref<1x16x1024xf32, #tpu.memory_space<vmem>>
    %dma_wait3A_290 = tpu.memref_squeeze %dma_wait3A_289 : memref<1x16x1024xf32, #tpu.memory_space<vmem>> -> memref<16x1024xf32, #tpu.memory_space<vmem>>
    %dma_wait3A_291 = arith.constant 0 : i32
    %dma_wait3A_292 = tpu.memref_slice %arg7[%add3A_285, %dma_wait3A_291] : memref<4096x1024xf32, #tpu.memory_space<hbm>> -> memref<16x1024xf32, #tpu.memory_space<hbm>>
    %dma_wait3A_293 = arith.constant 0 : i32
    %dma_wait3A_294 = tpu.memref_slice %arg7[%add3A_285, %dma_wait3A_293] : memref<4096x1024xf32, #tpu.memory_space<hbm>> -> memref<16x1024xf32, #tpu.memory_space<hbm>>
    %dma_wait3A_295 = arith.constant 0 : i32
    %dma_wait3A_296 = arith.constant 0 : i32
    %dma_wait3A_297 = tpu.memref_slice %arg10[%dma_wait3A_286, %dma_wait3A_295, %dma_wait3A_296] : memref<5x16x1024xf32, #tpu.memory_space<vmem>> -> memref<1x16x1024xf32, #tpu.memory_space<vmem>>
    %dma_wait3A_298 = tpu.memref_squeeze %dma_wait3A_297 : memref<1x16x1024xf32, #tpu.memory_space<vmem>> -> memref<16x1024xf32, #tpu.memory_space<vmem>>
    tpu.wait_dma2 semaphore(%arg16 : memref<!tpu.dma_semaphore, #tpu.memory_space<semaphore_mem>>) src(%dma_wait3A_298 : memref<16x1024xf32, #tpu.memory_space<vmem>>) dst(%dma_wait3A_294 : memref<16x1024xf32, #tpu.memory_space<hbm>>)
    %add3A_299 = arith.constant 96 : i32
    %add3A_300 = arith.addi %mul3A_2, %add3A_299 : i32
    %dma_wait3A_301 = arith.constant 1 : i32
    %dma_wait3A_302 = arith.constant 0 : i32
    %dma_wait3A_303 = arith.constant 0 : i32
    %dma_wait3A_304 = tpu.memref_slice %arg10[%dma_wait3A_301, %dma_wait3A_302, %dma_wait3A_303] : memref<5x16x1024xf32, #tpu.memory_space<vmem>> -> memref<1x16x1024xf32, #tpu.memory_space<vmem>>
    %dma_wait3A_305 = tpu.memref_squeeze %dma_wait3A_304 : memref<1x16x1024xf32, #tpu.memory_space<vmem>> -> memref<16x1024xf32, #tpu.memory_space<vmem>>
    %dma_wait3A_306 = arith.constant 0 : i32
    %dma_wait3A_307 = tpu.memref_slice %arg7[%add3A_300, %dma_wait3A_306] : memref<4096x1024xf32, #tpu.memory_space<hbm>> -> memref<16x1024xf32, #tpu.memory_space<hbm>>
    %dma_wait3A_308 = arith.constant 0 : i32
    %dma_wait3A_309 = tpu.memref_slice %arg7[%add3A_300, %dma_wait3A_308] : memref<4096x1024xf32, #tpu.memory_space<hbm>> -> memref<16x1024xf32, #tpu.memory_space<hbm>>
    %dma_wait3A_310 = arith.constant 0 : i32
    %dma_wait3A_311 = arith.constant 0 : i32
    %dma_wait3A_312 = tpu.memref_slice %arg10[%dma_wait3A_301, %dma_wait3A_310, %dma_wait3A_311] : memref<5x16x1024xf32, #tpu.memory_space<vmem>> -> memref<1x16x1024xf32, #tpu.memory_space<vmem>>
    %dma_wait3A_313 = tpu.memref_squeeze %dma_wait3A_312 : memref<1x16x1024xf32, #tpu.memory_space<vmem>> -> memref<16x1024xf32, #tpu.memory_space<vmem>>
    tpu.wait_dma2 semaphore(%arg16 : memref<!tpu.dma_semaphore, #tpu.memory_space<semaphore_mem>>) src(%dma_wait3A_313 : memref<16x1024xf32, #tpu.memory_space<vmem>>) dst(%dma_wait3A_309 : memref<16x1024xf32, #tpu.memory_space<hbm>>)
    %add3A_314 = arith.constant 112 : i32
    %add3A_315 = arith.addi %mul3A_2, %add3A_314 : i32
    %dma_wait3A_316 = arith.constant 2 : i32
    %dma_wait3A_317 = arith.constant 0 : i32
    %dma_wait3A_318 = arith.constant 0 : i32
    %dma_wait3A_319 = tpu.memref_slice %arg10[%dma_wait3A_316, %dma_wait3A_317, %dma_wait3A_318] : memref<5x16x1024xf32, #tpu.memory_space<vmem>> -> memref<1x16x1024xf32, #tpu.memory_space<vmem>>
    %dma_wait3A_320 = tpu.memref_squeeze %dma_wait3A_319 : memref<1x16x1024xf32, #tpu.memory_space<vmem>> -> memref<16x1024xf32, #tpu.memory_space<vmem>>
    %dma_wait3A_321 = arith.constant 0 : i32
    %dma_wait3A_322 = tpu.memref_slice %arg7[%add3A_315, %dma_wait3A_321] : memref<4096x1024xf32, #tpu.memory_space<hbm>> -> memref<16x1024xf32, #tpu.memory_space<hbm>>
    %dma_wait3A_323 = arith.constant 0 : i32
    %dma_wait3A_324 = tpu.memref_slice %arg7[%add3A_315, %dma_wait3A_323] : memref<4096x1024xf32, #tpu.memory_space<hbm>> -> memref<16x1024xf32, #tpu.memory_space<hbm>>
    %dma_wait3A_325 = arith.constant 0 : i32
    %dma_wait3A_326 = arith.constant 0 : i32
    %dma_wait3A_327 = tpu.memref_slice %arg10[%dma_wait3A_316, %dma_wait3A_325, %dma_wait3A_326] : memref<5x16x1024xf32, #tpu.memory_space<vmem>> -> memref<1x16x1024xf32, #tpu.memory_space<vmem>>
    %dma_wait3A_328 = tpu.memref_squeeze %dma_wait3A_327 : memref<1x16x1024xf32, #tpu.memory_space<vmem>> -> memref<16x1024xf32, #tpu.memory_space<vmem>>
    tpu.wait_dma2 semaphore(%arg16 : memref<!tpu.dma_semaphore, #tpu.memory_space<semaphore_mem>>) src(%dma_wait3A_328 : memref<16x1024xf32, #tpu.memory_space<vmem>>) dst(%dma_wait3A_324 : memref<16x1024xf32, #tpu.memory_space<hbm>>)
    return
  }
}

module attributes {stable_mosaic.version = 14 : i64} {
  func.func @body(%arg0: i32, %arg1: i32, %arg2: memref<1x512x1024xf32, #tpu.memory_space<vmem>>, %arg3: memref<1x512x1024xbf16, #tpu.memory_space<vmem>>, %arg4: memref<1x1024x1024xf32, #tpu.memory_space<vmem>>, %arg5: memref<1x512x1024xf32, #tpu.memory_space<vmem>>, %arg6: memref<1024x1024xf32, #tpu.memory_space<vmem>>, %arg7: memref<1024x1024xf32, #tpu.memory_space<vmem>>, %arg8: memref<1x1024xf32, #tpu.memory_space<vmem>>, %arg9: memref<1x512x1024xf32, #tpu.memory_space<vmem>>) attributes {dimension_semantics = [#tpu.dimension_semantics<arbitrary>, #tpu.dimension_semantics<arbitrary>], iteration_bounds = array<i64: 4, 2>, scalar_prefetch = 0 : i64, scratch_operands = 0 : i64, tpu.core_type = #tpu.core_type<tc>, window_params = [{transform_indices = @transform_0, window_bounds = array<i64: 1, 512, 1024>}, {transform_indices = @transform_1, window_bounds = array<i64: 1, 512, 1024>}, {transform_indices = @transform_2, window_bounds = array<i64: 1, 1024, 1024>}, {transform_indices = @transform_3, window_bounds = array<i64: 1, 512, 1024>}, {pipeline_mode = #tpu.pipeline_mode<synchronous>, transform_indices = @transform_4, window_bounds = array<i64: 1024, 1024>}, {pipeline_mode = #tpu.pipeline_mode<synchronous>, transform_indices = @transform_5, window_bounds = array<i64: 1024, 1024>}, {pipeline_mode = #tpu.pipeline_mode<synchronous>, transform_indices = @transform_6, window_bounds = array<i64: 1, 1024>}, {transform_indices = @transform_7, window_bounds = array<i64: 1, 512, 1024>}]} {
    %get3A = arith.constant 0 : index
    %get3A_0 = arith.constant 0 : index
    %get3A_1 = arith.constant 0 : index
    %get3A_2 = vector.load %arg2[%get3A, %get3A_0, %get3A_1] : memref<1x512x1024xf32, #tpu.memory_space<vmem>>, vector<1x512x1024xf32>
    %get3A_3 = vector.shape_cast %get3A_2 : vector<1x512x1024xf32> to vector<512x1024xf32>
    %get3A_4 = arith.constant 0 : index
    %get3A_5 = arith.constant 0 : index
    %get3A_6 = arith.constant 0 : index
    %get3A_7 = vector.load %arg3[%get3A_4, %get3A_5, %get3A_6] : memref<1x512x1024xbf16, #tpu.memory_space<vmem>>, vector<1x512x1024xbf16>
    %get3A_8 = vector.shape_cast %get3A_7 : vector<1x512x1024xbf16> to vector<512x1024xbf16>
    %convert_element_type3A = arith.extf %get3A_8 : vector<512x1024xbf16> to vector<512x1024xf32>
    %add3A = arith.addf %get3A_3, %convert_element_type3A : vector<512x1024xf32>
    %convert_element_type3A_9 = arith.truncf %add3A : vector<512x1024xf32> to vector<512x1024xbf16>
    %get3A_10 = arith.constant 0 : index
    %get3A_11 = arith.constant 0 : index
    %get3A_12 = arith.constant 0 : index
    %get3A_13 = vector.load %arg4[%get3A_10, %get3A_11, %get3A_12] : memref<1x1024x1024xf32, #tpu.memory_space<vmem>>, vector<1x1024x1024xf32>
    %get3A_14 = vector.shape_cast %get3A_13 : vector<1x1024x1024xf32> to vector<1024x1024xf32>
    %convert_element_type3A_15 = arith.truncf %get3A_14 : vector<1024x1024xf32> to vector<1024x1024xbf16>
    %dot_general3A = arith.constant dense<0.000000e+00> : vector<512x1024xf32>
    %dot_general3A_16 = tpu.matmul %convert_element_type3A_9, %convert_element_type3A_15, %dot_general3A {dimension_numbers = #tpu.dot_dimension_numbers<[1], [0], [0], [1], [0, 0, 1, 1], [], []>, transpose_lhs_hint = false} : vector<512x1024xbf16>, vector<1024x1024xbf16>, vector<512x1024xf32> -> vector<512x1024xf32>
    %convert_element_type3A_17 = arith.truncf %dot_general3A_16 : vector<512x1024xf32> to vector<512x1024xbf16>
    %get3A_18 = arith.constant 0 : index
    %get3A_19 = arith.constant 0 : index
    %get3A_20 = vector.load %arg6[%get3A_18, %get3A_19] : memref<1024x1024xf32, #tpu.memory_space<vmem>>, vector<1024x1024xf32>
    %convert_element_type3A_21 = arith.truncf %get3A_20 : vector<1024x1024xf32> to vector<1024x1024xbf16>
    %dot_general3A_22 = arith.constant dense<0.000000e+00> : vector<512x1024xf32>
    %dot_general3A_23 = tpu.matmul %convert_element_type3A_17, %convert_element_type3A_21, %dot_general3A_22 {dimension_numbers = #tpu.dot_dimension_numbers<[1], [0], [0], [1], [0, 0, 1, 1], [], []>, transpose_lhs_hint = false} : vector<512x1024xbf16>, vector<1024x1024xbf16>, vector<512x1024xf32> -> vector<512x1024xf32>
    %max3A = arith.constant 0.000000e+00 : f32
    %max3A_24 = vector.broadcast %max3A : f32 to vector<512x1024xf32>
    %max3A_25 = arith.maximumf %dot_general3A_23, %max3A_24 : vector<512x1024xf32>
    %get3A_26 = arith.constant 0 : index
    %get3A_27 = arith.constant 0 : index
    %get3A_28 = arith.constant 0 : index
    %get3A_29 = vector.load %arg5[%get3A_26, %get3A_27, %get3A_28] : memref<1x512x1024xf32, #tpu.memory_space<vmem>>, vector<1x512x1024xf32>
    %get3A_30 = vector.shape_cast %get3A_29 : vector<1x512x1024xf32> to vector<512x1024xf32>
    %convert_element_type3A_31 = arith.truncf %get3A_30 : vector<512x1024xf32> to vector<512x1024xbf16>
    %get3A_32 = arith.constant 0 : index
    %get3A_33 = arith.constant 0 : index
    %get3A_34 = vector.load %arg7[%get3A_32, %get3A_33] : memref<1024x1024xf32, #tpu.memory_space<vmem>>, vector<1024x1024xf32>
    %convert_element_type3A_35 = arith.truncf %get3A_34 : vector<1024x1024xf32> to vector<1024x1024xbf16>
    %dot_general3A_36 = arith.constant dense<0.000000e+00> : vector<512x1024xf32>
    %dot_general3A_37 = tpu.matmul %convert_element_type3A_31, %convert_element_type3A_35, %dot_general3A_36 {dimension_numbers = #tpu.dot_dimension_numbers<[1], [0], [0], [1], [0, 0, 1, 1], [], []>, transpose_lhs_hint = false} : vector<512x1024xbf16>, vector<1024x1024xbf16>, vector<512x1024xf32> -> vector<512x1024xf32>
    %get3A_38 = arith.constant 0 : index
    %get3A_39 = arith.constant 0 : index
    %get3A_40 = vector.load %arg8[%get3A_38, %get3A_39] : memref<1x1024xf32, #tpu.memory_space<vmem>>, vector<1x1024xf32>
    %add3A_41 = vector.broadcast %get3A_40 : vector<1x1024xf32> to vector<512x1024xf32>
    %add3A_42 = arith.addf %dot_general3A_37, %add3A_41 : vector<512x1024xf32>
    %mul3A = arith.constant 8.000000e-01 : f32
    %mul3A_43 = vector.broadcast %mul3A : f32 to vector<512x1024xf32>
    %mul3A_44 = arith.mulf %mul3A_43, %max3A_25 : vector<512x1024xf32>
    %tanh3A = math.tanh %add3A_42 : vector<512x1024xf32>
    %mul3A_45 = arith.constant 2.000000e-01 : f32
    %mul3A_46 = vector.broadcast %mul3A_45 : f32 to vector<512x1024xf32>
    %mul3A_47 = arith.mulf %mul3A_46, %tanh3A : vector<512x1024xf32>
    %add3A_48 = arith.addf %mul3A_44, %mul3A_47 : vector<512x1024xf32>
    %swap3A = arith.constant 0 : index
    %swap3A_49 = arith.constant 0 : index
    %swap3A_50 = arith.constant 0 : index
    %swap3A_51 = vector.load %arg9[%swap3A, %swap3A_49, %swap3A_50] : memref<1x512x1024xf32, #tpu.memory_space<vmem>>, vector<1x512x1024xf32>
    %swap3A_52 = vector.shape_cast %swap3A_51 : vector<1x512x1024xf32> to vector<512x1024xf32>
    %swap3A_53 = vector.shape_cast %add3A_48 : vector<512x1024xf32> to vector<1x512x1024xf32>
    tpu.vector_store %arg9[%swap3A, %swap3A_49, %swap3A_50], %swap3A_53 {strides = array<i32>} : memref<1x512x1024xf32, #tpu.memory_space<vmem>>, vector<1x512x1024xf32>,
    return
  }
  func.func @transform_0(%arg0: i32, %arg1: i32) -> (i32, i32, i32) {
    %c0_i32 = arith.constant 0 : i32
    %c0_i32_0 = arith.constant 0 : i32
    return %arg0, %arg1, %c0_i32 : i32, i32, i32
  }
  func.func @transform_1(%arg0: i32, %arg1: i32) -> (i32, i32, i32) {
    %c0_i32 = arith.constant 0 : i32
    %c0_i32_0 = arith.constant 0 : i32
    return %arg0, %arg1, %c0_i32 : i32, i32, i32
  }
  func.func @transform_2(%arg0: i32, %arg1: i32) -> (i32, i32, i32) {
    %c0_i32 = arith.constant 0 : i32
    %c0_i32_0 = arith.constant 0 : i32
    %c0_i32_1 = arith.constant 0 : i32
    return %arg0, %c0_i32, %c0_i32_0 : i32, i32, i32
  }
  func.func @transform_3(%arg0: i32, %arg1: i32) -> (i32, i32, i32) {
    %c0_i32 = arith.constant 0 : i32
    %c0_i32_0 = arith.constant 0 : i32
    return %arg0, %arg1, %c0_i32 : i32, i32, i32
  }
  func.func @transform_4(%arg0: i32, %arg1: i32) -> (i32, i32) {
    %c0_i32 = arith.constant 0 : i32
    %c0_i32_0 = arith.constant 0 : i32
    %c0_i32_1 = arith.constant 0 : i32
    return %c0_i32, %c0_i32_0 : i32, i32
  }
  func.func @transform_5(%arg0: i32, %arg1: i32) -> (i32, i32) {
    %c0_i32 = arith.constant 0 : i32
    %c0_i32_0 = arith.constant 0 : i32
    %c0_i32_1 = arith.constant 0 : i32
    return %c0_i32, %c0_i32_0 : i32, i32
  }
  func.func @transform_6(%arg0: i32, %arg1: i32) -> (i32, i32) {
    %c0_i32 = arith.constant 0 : i32
    %c0_i32_0 = arith.constant 0 : i32
    %c0_i32_1 = arith.constant 0 : i32
    return %c0_i32, %c0_i32_0 : i32, i32
  }
  func.func @transform_7(%arg0: i32, %arg1: i32) -> (i32, i32, i32) {
    %c0_i32 = arith.constant 0 : i32
    %c0_i32_0 = arith.constant 0 : i32
    return %arg0, %arg1, %c0_i32 : i32, i32, i32
  }
}

</mosaic_0001>

<sc_bundles>
// kernel: kernel.4.cloned.1.call-start
scs
__scs_entry_jumppad:
0x0: {  	(pc) =	sbr.rel $0x88, $3  }
0x1: {  	(tag) =	ssettag $0x0;
	lr =	simm.s32 $0x1  }
0x2: {  	[smem:$0x3F98] =	sst lr;
	_ =	strace $0xD0000000  }
0x3: {  	_ = 	snop  }
0x4: {  	_ = 	snop  }
0x5: {  	_ = 	snop  }
0x6: {  	_ = 	snop  }
0x7: {  	_ = 	snop  }
__scs_overlays_trampoline_lowered:
0x8: {  	[smem:$0x3FA7] =	sst s0  }
0x9: {  	[smem:$0x3FA8] =	sst s1  }
0xa: {  	[smem:$0x3FA9] =	sst s2  }
0xb: {  	[smem:$0x3FAA] =	sst s3  }
0xc: {  	[smem:$0x3FAB] =	sst s4  }
0xd: {  	[smem:$0x3FAC] =	sst s5  }
0xe: {  	[smem:$0x3FAD] =	sst s6  }
0xf: {  	[smem:$0x3FAE] =	sst s7  }
0x10: {  	[smem:$0x3FAF] =	sst s8  }
0x11: {  	[smem:$0x3FB0] =	sst s9;
	s0 =	simm.s32 @!p0 $0x0  }
0x12: {  	s1 =	sld [smem:$0x3F96];
	s0 =	simm.s32 @p0 $0x1  }
0x13: {  	[smem:$0x3FB1] =	sst s0;
	s0 =	simm.s32 @!p1 $0x0  }
0x14: {  	s2 =	sld [smem:$0x3F95];
	s0 =	simm.s32 @p1 $0x1  }
0x15: {  	[smem:$0x3FB2] =	sst s0;
	s0 =	simm.s32 @!p2 $0x0  }
0x16: {  	s3 =	sld [smem:$0x3FDB];
	s0 =	simm.s32 @p2 $0x1  }
0x17: {  	s4 =	simm.s32 $0x1BF5;
	[smem:$0x3FB4] =	sst s0  }
0x18: {  	s0 =	sld [smem:$0x3F97];
	_ =	swait.ge [sflag:s4], $0x0  }
0x19: {  	s7 =	sld [smem:$0x3F98]  }
0x1a: {  	s8 =	sadd.s32 $0xFFFFE003, lr  }
0x1b: {  	s9 =	sadd.s32 $0xFFFFFEF7, lr;
	s5 =	simm.s32 $0xFFFFFFFF;
	p2 =	slt.u32 s8, $0xFFFFF086  }
0x1c: {  	p1 =	slt.u32 s9, $0xF7A;
	s5 =	simm.s32 @!p2 $0x0  }
0x1d: {  	s5 =	simm.s32 @p1 $0x1;
	p0 =	seq.s32 s7, s2  }
0x1e: {  	s7 =	smul.u32 @!p0 $0xF7A, s2;
	p2 =	seq.s32 @!p0 s5, $0x0  }
0x1f: {  	s9 =	smul.u32 $0xF7A, s1;
	s8 =	simm.s32 @!p0 $0x1BF5;
	p2 =	por !p2, p0  }
0x20: {  	[sflag:s8] =	ssyncset.s32 @!p0 $0xFFFFF086;
	s6 =	sadd.s32 @!p0 s3, s7;
	s7 =	simm.s32 @!p0 $0x108  }
0x21: {  	s3 =	sadd.s32 s3, s9;
	s6 =	sadd.s32 @!p0 $0x88, s6;
	s7 =	simm.s32 @p2 $0x1082  }
0x22: {  	[simem:s7], [sflag:s8] =	dma.local @!p0 [hbm:s6], $0xF7A  }
0x23: {  	s9 =	sor.u32 $0xD0000000, s2;
	s6 =	simm.s32 $0x108;
	_ =	swait.ge @!p0 [sflag:s8], $0x0  }
0x24: {  	s3 =	sadd.s32 $0x88, s3;
	s6 =	simm.s32 @!p1 $0x1082;
	[sflag:s4] =	ssyncset.s32 $0xFFFFF086  }
0x25: {  	[simem:s6], [sflag:s4] =	dma.local [hbm:s3], $0xF7A  }
0x26: {  	[smem:$0x3F98] =	sst s1;
	(tag) =	ssettag s2;
	_ =	strace s9  }
0x27: {  	s1 =	sld [smem:$0x3FA8]  }
0x28: {  	s2 =	sld [smem:$0x3FA9]  }
0x29: {  	s4 =	sld [smem:$0x3FAB]  }
0x2a: {  	p0 =	seq.s32 s5, $0x0;
	s5 =	sld [smem:$0x3FAC]  }
0x2b: {  	s6 =	sld [smem:$0x3FAD]  }
0x2c: {  	s7 =	sld [smem:$0x3FAE]  }
0x2d: {  	s3 =	simm.s32 $0x108;
	s8 =	sld [smem:$0x3FAF]  }
0x2e: {  	s3 =	simm.s32 @!p0 $0x1082;
	s9 =	sld [smem:$0x3FB0]  }
0x2f: {  	lr =	sadd.s32 s0, s3;
	s0 =	sld [smem:$0x3FA7]  }
0x30: {  	s3 =	sld [smem:$0x3FAA]  }
0x31: {  	[smem:$0x3FB3] =	sst s10  }
0x32: {  	s10 =	sld [smem:$0x3FB1];
	_ =	sdelay $0x3  }
0x33: {  	p0 =	seq.s32 s10, $0x1;
	s10 =	sld [smem:$0x3FB3];
	_ =	sdelay $0x3  }
0x34: {  	[smem:$0x3FB3] =	sst s10  }
0x35: {  	s10 =	sld [smem:$0x3FB2];
	_ =	sdelay $0x3  }
0x36: {  	p1 =	seq.s32 s10, $0x1;
	s10 =	sld [smem:$0x3FB3];
	_ =	sdelay $0x3  }
0x37: {  	[smem:$0x3FB3] =	sst s10  }
0x38: {  	s10 =	sld [smem:$0x3FB4]  }
0x39: {  	_ = 	snop;
	(pc) =	sbr.ind lr, $3  }
0x3a: {  	_ = 	snop  }
0x3b: {  	_ = 	snop  }
0x3c: {  	p2 =	seq.s32 s10, $0x1;
	s10 =	sld [smem:$0x3FB3]  }
0x3d: {  	_ =	shalt  }
0x3e: {  	_ =	shalt  }
0x3f: {  	_ =	shalt  }
0x40: {  	_ =	shalt  }
0x41: {  	_ =	shalt  }
0x42: {  	_ =	shalt  }
0x43: {  	_ =	shalt  }
0x44: {  	_ =	shalt  }
0x45: {  	_ =	shalt  }
0x46: {  	_ =	shalt  }
0x47: {  	_ =	shalt  }
0x48: {  	_ =	shalt  }
0x49: {  	_ =	shalt  }
0x4a: {  	_ =	shalt  }
0x4b: {  	_ =	shalt  }
0x4c: {  	_ =	shalt  }
0x4d: {  	_ =	shalt  }
0x4e: {  	_ =	shalt  }
0x4f: {  	_ =	shalt  }
0x50: {  	_ =	shalt  }
0x51: {  	_ =	shalt  }
0x52: {  	_ =	shalt  }
0x53: {  	_ =	shalt  }
0x54: {  	_ =	shalt  }
0x55: {  	_ =	shalt  }
0x56: {  	_ =	shalt  }
0x57: {  	_ =	shalt  }
0x58: {  	_ =	shalt  }
0x59: {  	_ =	shalt  }
0x5a: {  	_ =	shalt  }
0x5b: {  	_ =	shalt  }
0x5c: {  	_ =	shalt  }
0x5d: {  	_ =	shalt  }
0x5e: {  	_ =	shalt  }
0x5f: {  	_ =	shalt  }
0x60: {  	_ =	shalt  }
0x61: {  	_ =	shalt  }
0x62: {  	_ =	shalt  }
0x63: {  	_ =	shalt  }
0x64: {  	_ =	shalt  }
0x65: {  	_ =	shalt  }
0x66: {  	_ =	shalt  }
0x67: {  	_ =	shalt  }
0x68: {  	_ =	shalt  }
0x69: {  	_ =	shalt  }
0x6a: {  	_ =	shalt  }
0x6b: {  	_ =	shalt  }
0x6c: {  	_ =	shalt  }
0x6d: {  	_ =	shalt  }
0x6e: {  	_ =	shalt  }
0x6f: {  	_ =	shalt  }
0x70: {  	_ =	shalt  }
0x71: {  	_ =	shalt  }
0x72: {  	_ =	shalt  }
0x73: {  	_ =	shalt  }
0x74: {  	_ =	shalt  }
0x75: {  	_ =	shalt  }
0x76: {  	_ =	shalt  }
0x77: {  	_ =	shalt  }
0x78: {  	_ =	shalt  }
0x79: {  	_ =	shalt  }
0x7a: {  	_ =	shalt  }
0x7b: {  	_ =	shalt  }
0x7c: {  	_ =	shalt  }
0x7d: {  	_ =	shalt  }
0x7e: {  	_ =	shalt  }
0x7f: {  	_ =	shalt  }
0x80: {  	_ =	shalt  }
0x81: {  	_ =	shalt  }
0x82: {  	_ =	shalt  }
0x83: {  	_ =	shalt  }
0x84: {  	_ =	shalt  }
0x85: {  	_ =	shalt  }
0x86: {  	_ =	shalt  }
0x87: {  	_ =	shalt  }
.Lfunc_end0:
.L_simem_size_0:
called_computation_lowered:
.L_overlay_start_0:
0x88: {  	s2 =	sld [smem:$0x3FD9]  }
0x89: {  	s3 =	sld [smem:$0x3FFE];
	_ =	sdelay $0x1  }
0x8a: {  	s1 =	srdreg.scid  }
0x8b: {  	s0 =	sand.u32 $0x1, s1  }
0x8c: {  	s17 =	sshll.u32 s0, $0xA;
	s2 =	sadd.s32 s3, s2  }
0x8d: {  	s2 =	sadd.s32 s2, s17  }
0x8e: {  	[smem:$0x3FBF] =	sst s2  }
0x8f: {  	_ = 	snop  }
0x90: {  	s2 =	sld [smem:$0x3FC8]  }
0x91: {  	s18 =	sld [smem:$0x3FC6]  }
0x92: {  	s4 =	sld [smem:$0x3FC3]  }
0x93: {  	s5 =	sld [smem:$0x3FD0];
	(tm) =	ssettm $0x1  }
0x94: {  	s6 =	sld [smem:$0x3FFB];
	_ =	sdelay $0x3  }
0x95: {  	_ =	strace s6  }
0x96: {  	s6 =	sld [smem:$0x3FFC];
	_ =	sdelay $0x3  }
0x97: {  	_ =	strace s6  }
0x98: {  	s6 =	sld [smem:$0x3FFD];
	_ =	sdelay $0x3  }
0x99: {  	_ =	strace s6  }
0x9a: {  	_ =	strace $0x8FFFFFFF  }
0x9b: {  	s19 =	sld [smem:$0x3FDB];
	_ =	sdelay $0x1  }
0x9c: {  	s7 =	simm.s32 $_scs_section_size  }
0x9d: {  	s8 =	simm.s32 $_size__tile_overlayer_lowered;
	s9 =	simm.s32 $_tile_overlayer_lowered  }
0x9e: {  	s22 =	simm.s32 $0x1BFF;
	s21 =	sshll.u32 s9, $0x1;
	s6 =	sadd.s32 s7, s19  }
0x9f: {  	s10 =	simm.s32 $0x0;
	s20 =	sshll.u32 s8, $0x1;
	s8 =	sadd.s32 s21, s6  }
0xa0: {  	[timem:s10], [sflag:s22] =	dma.local [hbm:s8], s20  }
0xa1: {  	_ =	swait.ge [sflag:s22], s20  }
0xa2: {  	s7 =	ssub.s32 $0x0, s20;
	[sflag:s22] =	ssyncset.done $0x0  }
0xa3: {  	[sflag:s22] =	ssyncadd.s32 s7;
	_ =	sdelay $0x1  }
0xa4: {  	s23 =	simm.s32 $0x1B8B  }
0xa5: {  	_ =	swait.ge [sflag:s23], $0x1  }
0xa6: {  	[sflag:s23] =	ssyncset.done $0x0  }
0xa7: {  	s25 =	simm.s32 $0x1B8E;
	s24 =	sld [smem:$0x3FFE];
	[sflag:s23] =	ssyncadd.s32 $0xFFFFFFFF  }
0xa8: {  	s26 =	simm.s32 $execute0_lowered;
	[smem:$0x3FD2] =	sst s25  }
0xa9: {  	s8 =	sshll.u32 s26, $0x1;
	_ =	strace $0x80000046;
	[dreg:$0x1] =	wrdreg $0xFFFFFFFF  }
0xaa: {  	s28 =	simm.s32 $_size_execute0_lowered;
	s6 =	sadd.s32 s6, s8;
	[dreg:$0x0] =	wrdreg $0x0  }
0xab: {  	s8 =	sshll.u32 s28, $0x1;
	[dreg:$0x2] =	wrdreg s6  }
0xac: {  	[dreg:$0x3] =	wrdreg s8  }
0xad: {  	[dreg:$0x4] =	wrdreg $0xC0  }
0xae: {  	_ =	task [dreg:s10], $0x5FFFF  }
0xaf: {  	[dreg:$0x1] =	wrdreg $0xFFFFFFFF  }
0xb0: {  	[dreg:$0x0] =	wrdreg $0x60  }
0xb1: {  	[dreg:$0x2] =	wrdreg s2  }
0xb2: {  	[dreg:$0x3] =	wrdreg s24  }
0xb3: {  	[dreg:$0x4] =	wrdreg s18  }
0xb4: {  	[dreg:$0x5] =	wrdreg s4  }
0xb5: {  	[dreg:$0x6] =	wrdreg s5  }
0xb6: {  	[dreg:$0x7] =	wrdreg $0x9  }
0xb7: {  	_ =	task.clear_ibuf [dreg:s10], $0x8FFFF;
	_ =	strace $0x90000046  }
0xb8: {  	s29 =	simm.s32 $0x9;
	_ =	strace $0x8000004F  }
0xb9: {  	_ =	swait.ge [sflag:s29], $0x1  }
0xba: {  	[sflag:s29] =	ssyncadd.s32 $0xFFFFFFFF  }
0xbb: {  	_ =	strace $0x9000004F  }
0xbc: {  	_ =	sfence  }
0xbd: {  	s30 =	sld [smem:$0x0];
	_ =	sdelay $0x2  }
0xbe: {  	s31 =	sshll.u32 s1, $0xD;
	s1 =	sshrl.u32 s1, $0x2  }
0xbf: {  	s3 =	sand.u32 $0x4000, s31;
	s1 =	sadd.s32 s1, s30  }
0xc0: {  	s0 =	sor.u32 s3, s0;
	s1 =	sshll.u32 s1, $0x11  }
0xc1: {  	s0 =	sor.u32 s1, s0  }
0xc2: {  	s0 =	sadd.s32 $0x8F2B, s0  }
0xc3: {  	[sflag:s0] =	ssyncadd.remote.s32 $0x1  }
0xc4: {  	_ =	sfence.sel $0xFFFF  }
0xc5: {  	[dreg:$0x0] =	wrdreg $0xFFFFFFFF;
	(pc) =	sbr.abs _section_cstart, $3  }
0xc6: {  	[dreg:$0x1] =	wrdreg $0xFFFFFFFF  }
0xc7: {  	_ =	task.clear_ibuf [dreg:s10], $0x2FFFF;
	_ =	strace $0x9FFFFFFF  }
0xc8: {  	(tm) =	ssettm $0x7FFFFFFF  }
0xc9: {  	_ =	shalt  }
tec
execute0_lowered:
.L_overlay_start_1:
0x0: {  	(tag) =	ssettag $0x1  }
0x1: {  	s1 =	rddreg [dreg:$0x0]  }
0x2: {  	s0 =	rddreg [dreg:$0x1]  }
0x3: {  	s2 =	rddreg [dreg:$0x2]  }
0x4: {  	s5 =	rddreg [dreg:$0x4];
	s3 =	srdreg.scid  }
0x5: {  	s9 =	stileid.u32;
	s6 =	simm.s32 $0x0;
	s15 =	simm.s32 $0x100  }
0x6: {  	s28 =	simm.s32 $0x5100;
	s29 =	simm.s32 $0x5900;
	s30 =	simm.s32 $0x6100  }
0x7: {  	s31 =	simm.s32 $0x6900;
	s3 =	sand.u32 $0x1, s3;
	s4 =	sshll.u32 s9, $0x8  }
0x8: {  	s7 =	sshll.u32 s3, $0x7;
	s8 =	ssub.s32 $0x2, s3;
	s3 =	sshll.u32 s3, $0x4  }
0x9: {  	[smem:$0x7FF] =	sst s6;
	s4 =	sor.u32 s7, s4;
	s3 =	sor.u32 s9, s3  }
0xa: {  	_ =	strace $0x80000047;
	s7 =	sshrl.u32 s4, $0x3;
	s17 =	sshll.u32 s3, $0xE  }
0xb: {  	s4 =	sshll.u32 s4, $0x7;
	s7 =	sadd.s32 s7, s0;
	s18 =	sadd.s32 s1, s17  }
0xc: {  	s0 =	sadd.s32 s4, s0;
	s7 =	sadd.s32 $0x1000, s7;
	[dreg:$0x7] =	wrdreg s18  }
0xd: {  	s12 =	simm.s32 $0x6;
	s19 =	sadd.s32 $0x1200, s0;
	[dreg:$0x6] =	wrdreg s7  }
0xe: {  	s13 =	simm.s32 $0x0;
	s20 =	sadd.s32 $0x1A00, s0;
	[dreg:$0x8] =	wrdreg s19  }
0xf: {  	s10 =	sadd.s32 $0x300, s2;
	s21 =	sadd.s32 $0x2200, s0;
	[dreg:$0x9] =	wrdreg s20  }
0x10: {  	s16 =	sshrl.u32 s8, $0x1;
	s22 =	sadd.s32 $0x2A00, s0;
	[dreg:$0xa] =	wrdreg s21  }
0x11: {  	s9 =	sadd.s32 $0x200, s2;
	s23 =	sadd.s32 $0x3200, s0;
	[dreg:$0xb] =	wrdreg s22  }
0x12: {  	s11 =	sshll.u32 s3, $0x4;
	s24 =	sadd.s32 $0x3A00, s0;
	[dreg:$0xc] =	wrdreg s23  }
0x13: {  	v3 =	vlaneseq.u32;
	s4 =	ssub.s32 s8, s16;
	s25 =	sadd.s32 $0x4200, s0;
	[dreg:$0xd] =	wrdreg s24  }
0x14: {  	v0 =	vmul.u32 $0x2, v3;
	s8 =	sadd.s32 $0x100, s2;
	s0 =	sadd.s32 $0x4A00, s0;
	[dreg:$0xe] =	wrdreg s25  }
0x15: {  	vm0 =	vmmov $0xffff;
	v2 =	vshrl.u32 v3, $0x3;
	v1 =	vand.u32 $0x7, v3;
	s17 =	simm.s32 $0x900;
	s26 =	smax.u32 s4, $0x1;
	[dreg:$0xf] =	wrdreg s0  }
0x16: {  	v3 =	vor.u32 $0x8, v3;
	v2 =	vmul.u32 $0x8, v2;
	v4 =	vor.u32 $0x1, v0;
	s18 =	simm.s32 $0x1100;
	[dreg:$0x10] =	wrdreg s26;
	s22 =	simm.s32 $0x7  }
0x17: {  	v5 =	vor.u32 $0x20, v0;
	v6 =	vor.u32 $0x21, v0;
	v7 =	vor.u32 $0x40, v0;
	s19 =	simm.s32 $0x1900;
	s20 =	simm.s32 $0x2100;
	s23 =	simm.s32 $0x2900  }
0x18: {  	v8 =	vor.u32 $0x41, v0;
	v9 =	vor.u32 $0x60, v0;
	v10 =	vor.u32 $0x61, v0;
	s24 =	simm.s32 $0x3100;
	s25 =	simm.s32 $0x3900;
	s26 =	simm.s32 $0x4900  }
.LBB2_1:
0x19: {  	s7 =	rddreg [dreg:$0x3]  }
0x1a: {  	[tilespmem:s6], [sflag:$0x7] =	stream.linear.gather [hbm4b:s7+s6], $0x80, $0x38;
	[tilespmem:$0x1A100] =	vst v63  }
0x1b: {  	_ =	swait.ge [sflag:s22], $0x80  }
0x1c: {  	[sflag:s22] =	ssyncset.done $0x0  }
0x1d: {  	s14 =	simm.s32 $0x80;
	s7 =	rddreg [dreg:$0x6];
	[sflag:s22] =	ssyncadd.s32 $0xFFFFFF80  }
0x1e: {  	[tilespmem:s14], [sflag:$0x7] =	stream.linear.gather [hbm4b:s7+s6], $0x80, $0x38;
	[tilespmem:$0x1A100] =	vst v63  }
0x1f: {  	_ =	swait.ge [sflag:s22], $0x80  }
0x20: {  	[sflag:s22] =	ssyncset.done $0x0  }
0x21: {  	[sflag:s22] =	ssyncadd.s32 $0xFFFFFF80  }
0x22: {  	v11 =	vld [tilespmem:$0x80];
	_ =	sdelay $0x4  }
0x23: {  	v12 =	vshll.u32 v11, $0x3  }
0x24: {  	v11 =	vand.u32 $0x7, v11;
	v12 =	vand.u32 $0xFFFFFFC0, v12  }
0x25: {  	v11 =	vor.u32 v11, v12  }
0x26: {  	v12 =	vperm.xlane v11, v1;
	_ =	sdelay $0x1  }
0x27: {  	v12 =	vadd.s32 v2, v12;
	_ =	sdelay $0x4  }
0x28: {  	[tilespmem:s15], [sflag:$0x1] =	stream.indirect_vreg.gather [hbm4b:s2+s6], $0x80, v12, vm0, $0xb8;
	[tilespmem:$0x1A100] =	vst v63  }
0x29: {  	v11 =	vperm.xlane v11, v3  }
0x2a: {  	[tilespmem:s17], [sflag:$0x1] =	stream.indirect_vreg.gather [hbm4b:s8+s6], $0x80, v12, vm0, $0xb8;
	[tilespmem:$0x1A100] =	vst v63  }
0x2b: {  	v11 =	vadd.s32 v2, v11  }
0x2c: {  	[tilespmem:s18], [sflag:$0x1] =	stream.indirect_vreg.gather [hbm4b:s9+s6], $0x80, v12, vm0, $0xb8;
	[tilespmem:$0x1A100] =	vst v63  }
0x2d: {  	_ = 	snop  }
0x2e: {  	[tilespmem:s19], [sflag:$0x1] =	stream.indirect_vreg.gather [hbm4b:s10+s6], $0x80, v12, vm0, $0xb8;
	[tilespmem:$0x1A100] =	vst v63  }
0x2f: {  	_ = 	snop  }
0x30: {  	[tilespmem:s20], [sflag:$0x1] =	stream.indirect_vreg.gather [hbm4b:s2+s6], $0x80, v11, vm0, $0xb8;
	[tilespmem:$0x1A100] =	vst v63  }
0x31: {  	_ = 	snop  }
0x32: {  	[tilespmem:s23], [sflag:$0x1] =	stream.indirect_vreg.gather [hbm4b:s8+s6], $0x80, v11, vm0, $0xb8;
	[tilespmem:$0x1A100] =	vst v63  }
0x33: {  	_ = 	snop  }
0x34: {  	[tilespmem:s24], [sflag:$0x1] =	stream.indirect_vreg.gather [hbm4b:s9+s6], $0x80, v11, vm0, $0xb8;
	[tilespmem:$0x1A100] =	vst v63  }
0x35: {  	_ = 	snop  }
0x36: {  	[tilespmem:s25], [sflag:$0x1] =	stream.indirect_vreg.gather [hbm4b:s10+s6], $0x80, v11, vm0, $0xb8;
	[tilespmem:$0x1A100] =	vst v63  }
0x37: {  	v11 =	vld [tilespmem:$0x90];
	_ =	sdelay $0x4  }
0x38: {  	v60 =	vshll.u32 v11, $0x3  }
0x39: {  	v11 =	vand.u32 $0x7, v11;
	v12 =	vand.u32 $0xFFFFFFC0, v60  }
0x3a: {  	v11 =	vor.u32 v11, v12  }
0x3b: {  	v12 =	vperm.xlane v11, v1;
	_ =	sdelay $0x1  }
0x3c: {  	v12 =	vadd.s32 v2, v12;
	_ =	sdelay $0x3  }
0x3d: {  	s16 =	simm.s32 $0x4100  }
0x3e: {  	[tilespmem:s16], [sflag:$0x2] =	stream.indirect_vreg.gather [hbm4b:s2+s6], $0x80, v12, vm0, $0xb8;
	[tilespmem:$0x1A100] =	vst v63  }
0x3f: {  	v11 =	vperm.xlane v11, v3  }
0x40: {  	[tilespmem:s26], [sflag:$0x2] =	stream.indirect_vreg.gather [hbm4b:s8+s6], $0x80, v12, vm0, $0xb8;
	[tilespmem:$0x1A100] =	vst v63  }
0x41: {  	v11 =	vadd.s32 v2, v11  }
0x42: {  	[tilespmem:s28], [sflag:$0x2] =	stream.indirect_vreg.gather [hbm4b:s9+s6], $0x80, v12, vm0, $0xb8;
	[tilespmem:$0x1A100] =	vst v63  }
0x43: {  	_ = 	snop  }
0x44: {  	[tilespmem:s29], [sflag:$0x2] =	stream.indirect_vreg.gather [hbm4b:s10+s6], $0x80, v12, vm0, $0xb8;
	[tilespmem:$0x1A100] =	vst v63  }
0x45: {  	_ = 	snop  }
0x46: {  	[tilespmem:s30], [sflag:$0x2] =	stream.indirect_vreg.gather [hbm4b:s2+s6], $0x80, v11, vm0, $0xb8;
	[tilespmem:$0x1A100] =	vst v63  }
0x47: {  	_ = 	snop  }
0x48: {  	[tilespmem:s31], [sflag:$0x2] =	stream.indirect_vreg.gather [hbm4b:s8+s6], $0x80, v11, vm0, $0xb8;
	[tilespmem:$0x1A100] =	vst v63  }
0x49: {  	s3 =	simm.s32 $0x7100  }
0x4a: {  	[tilespmem:s3], [sflag:$0x2] =	stream.indirect_vreg.gather [hbm4b:s9+s6], $0x80, v11, vm0, $0xb8;
	[tilespmem:$0x1A100] =	vst v63  }
0x4b: {  	s25 =	simm.s32 $0x7900  }
0x4c: {  	[tilespmem:s25], [sflag:$0x2] =	stream.indirect_vreg.gather [hbm4b:s10+s6], $0x80, v11, vm0, $0xb8;
	[tilespmem:$0x1A100] =	vst v63  }
0x4d: {  	v11 =	vld [tilespmem:$0xA0];
	_ =	sdelay $0x4  }
0x4e: {  	v61 =	vshll.u32 v11, $0x3  }
0x4f: {  	v11 =	vand.u32 $0x7, v11;
	v12 =	vand.u32 $0xFFFFFFC0, v61  }
0x50: {  	v11 =	vor.u32 v11, v12  }
0x51: {  	v12 =	vperm.xlane v11, v1;
	_ =	sdelay $0x1  }
0x52: {  	v12 =	vadd.s32 v2, v12;
	_ =	sdelay $0x3  }
0x53: {  	s21 =	simm.s32 $0x8100  }
0x54: {  	[tilespmem:s21], [sflag:$0x3] =	stream.indirect_vreg.gather [hbm4b:s2+s6], $0x80, v12, vm0, $0xb8;
	[tilespmem:$0x1A100] =	vst v63  }
0x55: {  	s28 =	simm.s32 $0x8900;
	v11 =	vperm.xlane v11, v3  }
0x56: {  	[tilespmem:s28], [sflag:$0x3] =	stream.indirect_vreg.gather [hbm4b:s8+s6], $0x80, v12, vm0, $0xb8;
	[tilespmem:$0x1A100] =	vst v63  }
0x57: {  	s0 =	simm.s32 $0x9100;
	v11 =	vadd.s32 v2, v11  }
0x58: {  	[tilespmem:s0], [sflag:$0x3] =	stream.indirect_vreg.gather [hbm4b:s9+s6], $0x80, v12, vm0, $0xb8;
	[tilespmem:$0x1A100] =	vst v63  }
0x59: {  	s4 =	simm.s32 $0x9900  }
0x5a: {  	[tilespmem:s4], [sflag:$0x3] =	stream.indirect_vreg.gather [hbm4b:s10+s6], $0x80, v12, vm0, $0xb8;
	[tilespmem:$0x1A100] =	vst v63  }
0x5b: {  	s29 =	simm.s32 $0xA100  }
0x5c: {  	[tilespmem:s29], [sflag:$0x3] =	stream.indirect_vreg.gather [hbm4b:s2+s6], $0x80, v11, vm0, $0xb8;
	[tilespmem:$0x1A100] =	vst v63  }
0x5d: {  	s30 =	simm.s32 $0xA900  }
0x5e: {  	[tilespmem:s30], [sflag:$0x3] =	stream.indirect_vreg.gather [hbm4b:s8+s6], $0x80, v11, vm0, $0xb8;
	[tilespmem:$0x1A100] =	vst v63  }
0x5f: {  	s31 =	simm.s32 $0xB100  }
0x60: {  	[tilespmem:s31], [sflag:$0x3] =	stream.indirect_vreg.gather [hbm4b:s9+s6], $0x80, v11, vm0, $0xb8;
	[tilespmem:$0x1A100] =	vst v63  }
0x61: {  	s3 =	simm.s32 $0xB900  }
0x62: {  	[tilespmem:s3], [sflag:$0x3] =	stream.indirect_vreg.gather [hbm4b:s10+s6], $0x80, v11, vm0, $0xb8;
	[tilespmem:$0x1A100] =	vst v63  }
0x63: {  	v11 =	vld [tilespmem:$0xB0];
	_ =	sdelay $0x4  }
0x64: {  	v62 =	vshll.u32 v11, $0x3  }
0x65: {  	v11 =	vand.u32 $0x7, v11;
	v12 =	vand.u32 $0xFFFFFFC0, v62  }
0x66: {  	v11 =	vor.u32 v11, v12  }
0x67: {  	v12 =	vperm.xlane v11, v1;
	_ =	sdelay $0x1  }
0x68: {  	v12 =	vadd.s32 v2, v12;
	_ =	sdelay $0x3  }
0x69: {  	s4 =	simm.s32 $0xC100  }
0x6a: {  	[tilespmem:s4], [sflag:$0x4] =	stream.indirect_vreg.gather [hbm4b:s2+s6], $0x80, v12, vm0, $0xb8;
	[tilespmem:$0x1A100] =	vst v63  }
0x6b: {  	s7 =	simm.s32 $0xC900;
	v11 =	vperm.xlane v11, v3  }
0x6c: {  	[tilespmem:s7], [sflag:$0x4] =	stream.indirect_vreg.gather [hbm4b:s8+s6], $0x80, v12, vm0, $0xb8;
	[tilespmem:$0x1A100] =	vst v63  }
0x6d: {  	s14 =	simm.s32 $0xD100;
	v11 =	vadd.s32 v2, v11  }
0x6e: {  	[tilespmem:s14], [sflag:$0x4] =	stream.indirect_vreg.gather [hbm4b:s9+s6], $0x80, v12, vm0, $0xb8;
	[tilespmem:$0x1A100] =	vst v63  }
0x6f: {  	s15 =	simm.s32 $0xD900  }
0x70: {  	[tilespmem:s15], [sflag:$0x4] =	stream.indirect_vreg.gather [hbm4b:s10+s6], $0x80, v12, vm0, $0xb8;
	[tilespmem:$0x1A100] =	vst v63  }
0x71: {  	s16 =	simm.s32 $0xE100  }
0x72: {  	[tilespmem:s16], [sflag:$0x4] =	stream.indirect_vreg.gather [hbm4b:s2+s6], $0x80, v11, vm0, $0xb8;
	[tilespmem:$0x1A100] =	vst v63  }
0x73: {  	s17 =	simm.s32 $0xE900  }
0x74: {  	[tilespmem:s17], [sflag:$0x4] =	stream.indirect_vreg.gather [hbm4b:s8+s6], $0x80, v11, vm0, $0xb8;
	[tilespmem:$0x1A100] =	vst v63  }
0x75: {  	s18 =	simm.s32 $0xF100  }
0x76: {  	[tilespmem:s18], [sflag:$0x4] =	stream.indirect_vreg.gather [hbm4b:s9+s6], $0x80, v11, vm0, $0xb8;
	[tilespmem:$0x1A100] =	vst v63  }
0x77: {  	s19 =	simm.s32 $0xF900  }
0x78: {  	[tilespmem:s19], [sflag:$0x4] =	stream.indirect_vreg.gather [hbm4b:s10+s6], $0x80, v11, vm0, $0xb8;
	[tilespmem:$0x1A100] =	vst v63  }
0x79: {  	v11 =	vld [tilespmem:$0xC0];
	_ =	sdelay $0x4  }
0x7a: {  	v63 =	vshll.u32 v11, $0x3  }
0x7b: {  	v11 =	vand.u32 $0x7, v11;
	v12 =	vand.u32 $0xFFFFFFC0, v63  }
0x7c: {  	v11 =	vor.u32 v11, v12  }
0x7d: {  	v12 =	vperm.xlane v11, v1;
	_ =	sdelay $0x1  }
0x7e: {  	v12 =	vadd.s32 v2, v12;
	_ =	sdelay $0x3  }
0x7f: {  	s20 =	simm.s32 $0x10100  }
0x80: {  	[tilespmem:s20], [sflag:$0x5] =	stream.indirect_vreg.gather [hbm4b:s2+s6], $0x80, v12, vm0, $0xb8;
	[tilespmem:$0x1A100] =	vst v63  }
0x81: {  	s21 =	simm.s32 $0x10900;
	v11 =	vperm.xlane v11, v3  }
0x82: {  	[tilespmem:s21], [sflag:$0x5] =	stream.indirect_vreg.gather [hbm4b:s8+s6], $0x80, v12, vm0, $0xb8;
	[tilespmem:$0x1A100] =	vst v63  }
0x83: {  	s23 =	simm.s32 $0x11100;
	v11 =	vadd.s32 v2, v11  }
0x84: {  	[tilespmem:s23], [sflag:$0x5] =	stream.indirect_vreg.gather [hbm4b:s9+s6], $0x80, v12, vm0, $0xb8;
	[tilespmem:$0x1A100] =	vst v63  }
0x85: {  	s24 =	simm.s32 $0x11900  }
0x86: {  	[tilespmem:s24], [sflag:$0x5] =	stream.indirect_vreg.gather [hbm4b:s10+s6], $0x80, v12, vm0, $0xb8;
	[tilespmem:$0x1A100] =	vst v63  }
0x87: {  	s25 =	simm.s32 $0x12100  }
0x88: {  	[tilespmem:s25], [sflag:$0x5] =	stream.indirect_vreg.gather [hbm4b:s2+s6], $0x80, v11, vm0, $0xb8;
	[tilespmem:$0x1A100] =	vst v63  }
0x89: {  	s26 =	simm.s32 $0x12900  }
0x8a: {  	[tilespmem:s26], [sflag:$0x5] =	stream.indirect_vreg.gather [hbm4b:s8+s6], $0x80, v11, vm0, $0xb8;
	[tilespmem:$0x1A100] =	vst v63  }
0x8b: {  	s28 =	simm.s32 $0x13100  }
0x8c: {  	[tilespmem:s28], [sflag:$0x5] =	stream.indirect_vreg.gather [hbm4b:s9+s6], $0x80, v11, vm0, $0xb8;
	[tilespmem:$0x1A100] =	vst v63  }
0x8d: {  	s29 =	simm.s32 $0x13900;
	s31 =	simm.s32 $0x14100  }
0x8e: {  	[tilespmem:s29], [sflag:$0x5] =	stream.indirect_vreg.gather [hbm4b:s10+s6], $0x80, v11, vm0, $0xb8;
	[tilespmem:$0x1A100] =	vst v63  }
0x8f: {  	s14 =	simm.s32 $0x0;
	s15 =	simm.s32 $0x0;
	_ =	strace $0x80000048  }
0x90: {  	s17 =	simm.s32 $0x0;
	s18 =	simm.s32 $0x0;
	s30 =	rddreg [dreg:$0x7]  }
0x91: {  	[tilespmem:s31], [sflag:$0x7] =	stream.linear.gather [hbm4b:s30+s6], $0x2000, $0x200038;
	[tilespmem:$0x1A100] =	vst v63  }
0x92: {  	s25 =	simm.s32 $0x0;
	s26 =	simm.s32 $0x1;
	_ =	strace $0x90000048  }
.LBB2_2:
0x93: {  	s7 =	smov.u32 s14;
	s14 =	sadd.s32 $0x1, s14  }
0x94: {  	p0 =	seq.s32 s14, $0x10  }
0x95: {  	s14 =	simm.s32 @p0 $0x0  }
0x96: {  	p6 =	sne.s32 s18, $0xF;
	p1 =	sne.s32 s7, s14  }
0x97: {  	p0 =	por !p6, !p1  }
0x98: {  	p0 =	por !p0, !p0  }
0x99: {  	s20 =	sadd.s32 @p0 s11, s14  }
0x9a: {  	s19 =	sand.u32 @p0 $0x1, s26;
	_ =	strace @p0 $0x80000049;
	s20 =	sshll.u32 @p0 s20, $0xA  }
0x9b: {  	s24 =	simm.s32 @p0 $0x0;
	s23 =	sshll.u32 @p0 s19, $0xD;
	s20 =	sand.u32 @p0 $0x1FFFFC00, s20  }
0x9c: {  	s19 =	sadd.s32 @p0 $0x7, s19;
	s23 =	sor.u32 @p0 $0x14100, s23;
	s20 =	sadd.s32 @p0 s1, s20  }
0x9d: {  	[tilespmem:s23], [sflag:s19] =	stream.linear.gather @p0 [hbm4b:s20+s24], $0x2000, $0x200038;
	[tilespmem:$0x1A100] =	vst v63  }
0x9e: {  	s21 =	sand.u32 $0x1, s17;
	_ =	strace @p0 $0x90000049  }
0x9f: {  	s31 =	simm.s32 $0x0;
	s19 =	sadd.s32 $0x7, s21;
	_ =	strace $0x8000004A  }
0xa0: {  	p2 =	por $0x0, $0x0;
	s23 =	sshll.u32 s17, $0xD;
	_ =	swait.ge [sflag:s19], $0x2000  }
0xa1: {  	s28 =	sadd.s32 s11, s7;
	s7 =	sand.u32 $0x2000, s23;
	[sflag:s19] =	ssyncset.done $0x0  }
0xa2: {  	s23 =	simm.s32 $0x0;
	[sflag:s19] =	ssyncadd.s32 $0xFFFFE000;
	s19 =	sand.u32 $0x1, s25  }
0xa3: {  	s20 =	sor.u32 $0x14100, s7;
	_ =	strace $0x9000004A;
	s24 =	sshll.u32 s19, $0xC  }
0xa4: {  	_ =	strace $0x8000004B;
	s29 =	sor.u32 $0x18100, s24;
	s30 =	sor.u32 $0x18140, s24  }
.LBB2_3:
0xa5: {  	s7 =	simm.s32 $0x0  }
0xa6: {  	v11 =	vmov s23;
	v12 =	vmov s7  }
0xa7: {  	v11 =	vshll.u32 v11, $0x7;
	v12 =	vshrl.u32 v12, $0x7  }
0xa8: {  	v11 =	vand.u32 $0x380, v11;
	v12 =	vshll.u32 v12, $0xA  }
0xa9: {  	v12 =	vor.u32 v11, v12  }
0xaa: {  	v12 =	vbroadcast v12, $0x0;
	_ =	sdelay $0x1  }
0xab: {  	v13 =	vor.u32 v9, v12  }
0xac: {  	v14 =	vor.u32 v10, v12  }
0xad: {  	v15 =	vor.u32 v0, v12  }
0xae: {  	v16 =	vor.u32 v4, v12  }
0xaf: {  	v17 =	vor.u32 v5, v12  }
0xb0: {  	v18 =	vor.u32 v6, v12;
	v13 =	vld.idx.msk [tilespmem:v13+s20+$0x0], $0xffff  }
0xb1: {  	v19 =	vor.u32 v7, v12;
	v14 =	vld.idx.msk [tilespmem:v14+s20+$0x0], $0xffff  }
0xb2: {  	v12 =	vor.u32 v8, v12;
	v15 =	vld.idx.msk [tilespmem:v15+s20+$0x0], $0xffff  }
0xb3: {  	v16 =	vld.idx.msk [tilespmem:v16+s20+$0x0], $0xffff  }
0xb4: {  	s7 =	simm.s32 $0x80;
	v17 =	vld.idx.msk [tilespmem:v17+s20+$0x0], $0xffff  }
0xb5: {  	v20 =	vmov s7;
	v18 =	vld.idx.msk [tilespmem:v18+s20+$0x0], $0xffff  }
0xb6: {  	v20 =	vshrl.u32 v20, $0x7;
	v19 =	vld.idx.msk [tilespmem:v19+s20+$0x0], $0xffff  }
0xb7: {  	v20 =	vshll.u32 v20, $0xA;
	v21 =	vld.idx.msk [tilespmem:v12+s20+$0x0], $0xffff  }
0xb8: {  	v12 =	vor.u32 v11, v20;
	v20 =	vld.idx.msk [tilespmem:v13+s6+$0x0], $0xffff  }
0xb9: {  	v22 =	vbroadcast v12, $0x0;
	v23 =	vld.idx.msk [tilespmem:v14+s6+$0x0], $0xffff  }
0xba: {  	v24 =	vld.idx.msk [tilespmem:v15+s6+$0x0], $0xffff  }
0xbb: {  	v14 =	vor.u32 v9, v22;
	v25 =	vld.idx.msk [tilespmem:v16+s6+$0x0], $0xffff  }
0xbc: {  	v16 =	vor.u32 v10, v22;
	v26 =	vld.idx.msk [tilespmem:v17+s6+$0x0], $0xffff  }
0xbd: {  	v27 =	vor.u32 v0, v22;
	v28 =	vld.idx.msk [tilespmem:v18+s6+$0x0], $0xffff  }
0xbe: {  	v29 =	vor.u32 v4, v22;
	v12 =	vld.idx.msk [tilespmem:v19+s6+$0x0], $0xffff  }
0xbf: {  	s24 =	sshrl.u32 s31, $0x1;
	v13 =	vld.idx.msk [tilespmem:v21+s6+$0x0], $0xffff;
	v19 =	vor.u32 v5, v22  }
0xc0: {  	s24 =	sand.u32 $0x3FFFFF80, s24;
	v15 =	vor.u32 v6, v22;
	v14 =	vld.idx.msk [tilespmem:v14+s20+$0x0], $0xffff  }
0xc1: {  	s24 =	sadd.s32 s24, s30;
	v17 =	vor.u32 v7, v22;
	v18 =	vpack.i.f32.bf16 v23, v20;
	v16 =	vld.idx.msk [tilespmem:v16+s20+$0x0], $0xffff  }
0xc2: {  	v21 =	vpack.i.f32.bf16 v25, v24;
	v20 =	vld.idx.msk [tilespmem:v27+s20+$0x0], $0xffff;
	[tilespmem:s24+$0x20] =	vst v18;
	v18 =	vor.u32 v8, v22  }
0xc3: {  	[tilespmem:s24+$0xFFFFFFC0] =	vst v21;
	v21 =	vld.idx.msk [tilespmem:v29+s20+$0x0], $0xffff;
	v22 =	vpack.i.f32.bf16 v28, v26  }
.LBB2_4:
0xc4: {  	s7 =	sadd.s32 $0x80, s7;
	v23 =	vld.idx.msk [tilespmem:v19+s20+$0x0], $0xffff;
	[tilespmem:s24+$0xFFFFFFE0] =	vst v22  }
0xc5: {  	v12 =	vpack.i.f32.bf16 v13, v12;
	v19 =	vmov s7;
	p3 =	slt.u32 s7, $0x380;
	v22 =	vld.idx.msk [tilespmem:v15+s20+$0x0], $0xffff  }
0xc6: {  	v13 =	vshrl.u32 v19, $0x7;
	v24 =	vld.idx.msk [tilespmem:v17+s20+$0x0], $0xffff;
	[tilespmem:s24+$0x0] =	vst v12  }
0xc7: {  	v12 =	vshll.u32 v13, $0xA;
	v13 =	vld.idx.msk [tilespmem:v18+s20+$0x0], $0xffff  }
0xc8: {  	v12 =	vor.u32 v11, v12;
	v14 =	vld.idx.msk [tilespmem:v14+s6+$0x0], $0xffff  }
0xc9: {  	v12 =	vbroadcast v12, $0x0;
	v16 =	vld.idx.msk [tilespmem:v16+s6+$0x0], $0xffff  }
0xca: {  	v20 =	vld.idx.msk [tilespmem:v20+s6+$0x0], $0xffff  }
0xcb: {  	v25 =	vor.u32 v0, v12;
	v26 =	vor.u32 v4, v12;
	v27 =	vor.u32 v9, v12;
	v21 =	vld.idx.msk [tilespmem:v21+s6+$0x0], $0xffff  }
0xcc: {  	v19 =	vor.u32 v5, v12;
	v15 =	vor.u32 v6, v12;
	v28 =	vor.u32 v10, v12;
	v23 =	vld.idx.msk [tilespmem:v23+s6+$0x0], $0xffff  }
0xcd: {  	v17 =	vor.u32 v7, v12;
	v18 =	vor.u32 v8, v12;
	v22 =	vld.idx.msk [tilespmem:v22+s6+$0x0], $0xffff  }
0xce: {  	v12 =	vld.idx.msk [tilespmem:v24+s6+$0x0], $0xffff  }
.Ltmp0:
0xcf: {  	s24 =	sadd.s32 $0x200, s24;
	v16 =	vpack.i.f32.bf16 v16, v14;
	v13 =	vld.idx.msk [tilespmem:v13+s6+$0x0], $0xffff;
	(pc) =	sbr.rel @p3 .LBB2_4-.Ltmp0, $4  }
0xd0: {  	v14 =	vld.idx.msk [tilespmem:v27+s20+$0x0], $0xffff;
	[tilespmem:s24+$0x20] =	vst v16  }
0xd1: {  	v21 =	vpack.i.f32.bf16 v21, v20;
	v16 =	vld.idx.msk [tilespmem:v28+s20+$0x0], $0xffff  }
0xd2: {  	v20 =	vld.idx.msk [tilespmem:v25+s20+$0x0], $0xffff;
	[tilespmem:s24+$0xFFFFFFC0] =	vst v21  }
0xd3: {  	v22 =	vpack.i.f32.bf16 v22, v23;
	v21 =	vld.idx.msk [tilespmem:v26+s20+$0x0], $0xffff  }
0xd4: {  	_ =	sdelay $0x3  }
0xd5: {  	v11 =	vld.idx.msk [tilespmem:v19+s20+$0x0], $0xffff  }
0xd6: {  	v15 =	vld.idx.msk [tilespmem:v15+s20+$0x0], $0xffff  }
0xd7: {  	v17 =	vld.idx.msk [tilespmem:v17+s20+$0x0], $0xffff  }
0xd8: {  	v18 =	vld.idx.msk [tilespmem:v18+s20+$0x0], $0xffff  }
0xd9: {  	v14 =	vld.idx.msk [tilespmem:v14+s6+$0x0], $0xffff  }
0xda: {  	v16 =	vld.idx.msk [tilespmem:v16+s6+$0x0], $0xffff  }
0xdb: {  	v60 =	vld.idx.msk [tilespmem:v20+s6+$0x0], $0xffff  }
0xdc: {  	v61 =	vld.idx.msk [tilespmem:v21+s6+$0x0], $0xffff  }
0xdd: {  	v11 =	vld.idx.msk [tilespmem:v11+s6+$0x0], $0xffff  }
0xde: {  	v15 =	vld.idx.msk [tilespmem:v15+s6+$0x0], $0xffff  }
0xdf: {  	v17 =	vld.idx.msk [tilespmem:v17+s6+$0x0], $0xffff  }
0xe0: {  	s23 =	sadd.s32 $0x1, s23;
	v18 =	vld.idx.msk [tilespmem:v18+s6+$0x0], $0xffff  }
0xe1: {  	[tilespmem:s24+$0xFFFFFFE0] =	vst v22;
	v12 =	vpack.i.f32.bf16 v13, v12;
	p3 =	sne.s32 s23, $0x8  }
.Ltmp1:
0xe2: {  	s7 =	sadd.s32 $0x200, s24;
	[tilespmem:s24+$0x0] =	vst v12;
	v62 =	vpack.i.f32.bf16 v16, v14;
	(pc) =	sbr.rel @p3 .LBB2_3-.Ltmp1, $4  }
0xe3: {  	[tilespmem:s7+$0x20] =	vst v62;
	v63 =	vpack.i.f32.bf16 v61, v60  }
0xe4: {  	[tilespmem:s7+$0xFFFFFFC0] =	vst v63;
	v11 =	vpack.i.f32.bf16 v15, v11  }
0xe5: {  	[tilespmem:s7+$0xFFFFFFE0] =	vst v11;
	v11 =	vpack.i.f32.bf16 v18, v17  }
0xe6: {  	s31 =	sadd.s32 $0x80, s31;
	p2 =	por !p2, !p2;
	[tilespmem:s7+$0x0] =	vst v11  }
0xe7: {  	p2 =	seq.s32 s18, $0xF  }
0xe8: {  	p1 =	por p2, p1  }
0xe9: {  	_ =	strace $0x9000004B;
	s7 =	sshll.u32 @p1 s28, $0x9  }
0xea: {  	_ =	strace @p1 $0x8000004C;
	s7 =	sand.u32 @p1 $0xFFFFE00, s7  }
0xeb: {  	s19 =	sadd.s32 @p1 $0x9, s19;
	s20 =	simm.s32 @p1 $0x0;
	s7 =	sadd.s32 @p1 s5, s7  }
0xec: {  	[hbm4b:s7+s20] =	stream.linear.scatter @p1 [tilespmem:s29], [sflag:s19], $0x1000, $0x200038;
	[tilespmem:$0x1A100] =	vst v63  }
0xed: {  	s7 =	simm.s32 $0x1  }
0xee: {  	s20 =	simm.s32 $0x1;
	s7 =	simm.s32 @!p0 $0x0;
	p0 =	seq.s32 s18, $0x0  }
0xef: {  	_ =	strace @p1 $0x9000004C;
	s26 =	sadd.s32 s7, s26;
	s7 =	simm.s32 $0x1  }
0xf0: {  	s7 =	simm.s32 @!p1 $0x0;
	p1 =	sne.s32 s18, $0x0;
	s18 =	sadd.s32 $0x1, s18  }
0xf1: {  	s19 =	sand.u32 @!p0 $0x1, s15;
	s20 =	simm.s32 @!p1 $0x0;
	p1 =	sne.s32 s18, $0x10  }
.Ltmp2:
0xf2: {  	_ =	strace @!p0 $0x8000004D;
	s19 =	sadd.s32 @!p0 $0x9, s19;
	(pc) =	sbr.rel @p1 .LBB2_2-.Ltmp2, $4  }
0xf3: {  	_ =	swait.ge @!p0 [sflag:s19], $0x1000  }
0xf4: {  	[sflag:s19] =	ssyncset.done @!p0 $0x0  }
0xf5: {  	s25 =	sadd.s32 s7, s25;
	[sflag:s19] =	ssyncadd.s32 @!p0 $0xFFFFF000  }
0xf6: {  	s17 =	sadd.s32 s7, s17;
	s15 =	sadd.s32 s20, s15;
	_ =	strace @!p0 $0x9000004D  }
0xf7: {  	_ =	strace $0x8000004E;
	s0 =	simm.s32 $0xA  }
0xf8: {  	_ =	swait.ge [sflag:s0], $0x1000  }
0xf9: {  	[sflag:s0] =	ssyncset.done $0x0  }
0xfa: {  	[sflag:s0] =	ssyncadd.s32 $0xFFFFF000  }
0xfb: {  	s16 =	simm.s32 $0x1;
	_ =	strace $0x9000004E  }
0xfc: {  	_ =	swait.ge [sflag:s16], $0x4000  }
0xfd: {  	[sflag:s16] =	ssyncset.done $0x0  }
0xfe: {  	s15 =	simm.s32 $0x100;
	s7 =	rddreg [dreg:$0x8];
	[sflag:s16] =	ssyncadd.s32 $0xFFFFC000  }
0xff: {  	[hbm4b:s7+s6] =	stream.linear.scatter [tilespmem:s15], [sflag:$0x7], $0x4000, $0x38;
	[tilespmem:$0x1A100] =	vst v63  }
0x100: {  	_ =	swait.ge [sflag:s22], $0x4000  }
0x101: {  	[sflag:s22] =	ssyncset.done $0x0  }
0x102: {  	[sflag:s22] =	ssyncadd.s32 $0xFFFFC000  }
0x103: {  	v11 =	vld [tilespmem:$0xD0];
	_ =	sdelay $0x4  }
0x104: {  	v12 =	vshll.u32 v11, $0x3  }
0x105: {  	v11 =	vand.u32 $0x7, v11;
	v12 =	vand.u32 $0xFFFFFFC0, v12  }
0x106: {  	v11 =	vor.u32 v11, v12  }
0x107: {  	v12 =	vperm.xlane v11, v1;
	_ =	sdelay $0x1  }
0x108: {  	v12 =	vadd.s32 v2, v12;
	_ =	sdelay $0x4  }
0x109: {  	[tilespmem:s15], [sflag:$0x1] =	stream.indirect_vreg.gather [hbm4b:s2+s6], $0x80, v12, vm0, $0xb8;
	[tilespmem:$0x1A100] =	vst v63  }
0x10a: {  	s17 =	simm.s32 $0x900;
	v11 =	vperm.xlane v11, v3  }
0x10b: {  	[tilespmem:s17], [sflag:$0x1] =	stream.indirect_vreg.gather [hbm4b:s8+s6], $0x80, v12, vm0, $0xb8;
	[tilespmem:$0x1A100] =	vst v63  }
0x10c: {  	s18 =	simm.s32 $0x1100;
	v11 =	vadd.s32 v2, v11  }
0x10d: {  	[tilespmem:s18], [sflag:$0x1] =	stream.indirect_vreg.gather [hbm4b:s9+s6], $0x80, v12, vm0, $0xb8;
	[tilespmem:$0x1A100] =	vst v63  }
0x10e: {  	s19 =	simm.s32 $0x1900  }
0x10f: {  	[tilespmem:s19], [sflag:$0x1] =	stream.indirect_vreg.gather [hbm4b:s10+s6], $0x80, v12, vm0, $0xb8;
	[tilespmem:$0x1A100] =	vst v63  }
0x110: {  	s20 =	simm.s32 $0x2100  }
0x111: {  	[tilespmem:s20], [sflag:$0x1] =	stream.indirect_vreg.gather [hbm4b:s2+s6], $0x80, v11, vm0, $0xb8;
	[tilespmem:$0x1A100] =	vst v63  }
0x112: {  	s23 =	simm.s32 $0x2900  }
0x113: {  	[tilespmem:s23], [sflag:$0x1] =	stream.indirect_vreg.gather [hbm4b:s8+s6], $0x80, v11, vm0, $0xb8;
	[tilespmem:$0x1A100] =	vst v63  }
0x114: {  	s24 =	simm.s32 $0x3100  }
0x115: {  	[tilespmem:s24], [sflag:$0x1] =	stream.indirect_vreg.gather [hbm4b:s9+s6], $0x80, v11, vm0, $0xb8;
	[tilespmem:$0x1A100] =	vst v63  }
0x116: {  	s25 =	simm.s32 $0x3900;
	s21 =	simm.s32 $0x2  }
0x117: {  	[tilespmem:s25], [sflag:$0x1] =	stream.indirect_vreg.gather [hbm4b:s10+s6], $0x80, v11, vm0, $0xb8;
	[tilespmem:$0x1A100] =	vst v63  }
0x118: {  	_ =	swait.ge [sflag:s21], $0x4000  }
0x119: {  	[sflag:s21] =	ssyncset.done $0x0  }
0x11a: {  	s14 =	simm.s32 $0x4100;
	s4 =	rddreg [dreg:$0x9];
	[sflag:s21] =	ssyncadd.s32 $0xFFFFC000  }
0x11b: {  	[hbm4b:s4+s6] =	stream.linear.scatter [tilespmem:s14], [sflag:$0x7], $0x4000, $0x38;
	[tilespmem:$0x1A100] =	vst v63  }
0x11c: {  	_ =	swait.ge [sflag:s22], $0x4000  }
0x11d: {  	[sflag:s22] =	ssyncset.done $0x0  }
0x11e: {  	[sflag:s22] =	ssyncadd.s32 $0xFFFFC000  }
0x11f: {  	v11 =	vld [tilespmem:$0xE0];
	_ =	sdelay $0x4  }
0x120: {  	v62 =	vshll.u32 v11, $0x3  }
0x121: {  	v11 =	vand.u32 $0x7, v11;
	v12 =	vand.u32 $0xFFFFFFC0, v62  }
0x122: {  	v11 =	vor.u32 v11, v12  }
0x123: {  	v12 =	vperm.xlane v11, v1;
	_ =	sdelay $0x1  }
0x124: {  	v12 =	vadd.s32 v2, v12;
	_ =	sdelay $0x4  }
0x125: {  	[tilespmem:s14], [sflag:$0x2] =	stream.indirect_vreg.gather [hbm4b:s2+s6], $0x80, v12, vm0, $0xb8;
	[tilespmem:$0x1A100] =	vst v63  }
0x126: {  	s26 =	simm.s32 $0x4900;
	v11 =	vperm.xlane v11, v3  }
0x127: {  	[tilespmem:s26], [sflag:$0x2] =	stream.indirect_vreg.gather [hbm4b:s8+s6], $0x80, v12, vm0, $0xb8;
	[tilespmem:$0x1A100] =	vst v63  }
0x128: {  	s28 =	simm.s32 $0x5100;
	v11 =	vadd.s32 v2, v11  }
0x129: {  	[tilespmem:s28], [sflag:$0x2] =	stream.indirect_vreg.gather [hbm4b:s9+s6], $0x80, v12, vm0, $0xb8;
	[tilespmem:$0x1A100] =	vst v63  }
0x12a: {  	s29 =	simm.s32 $0x5900  }
0x12b: {  	[tilespmem:s29], [sflag:$0x2] =	stream.indirect_vreg.gather [hbm4b:s10+s6], $0x80, v12, vm0, $0xb8;
	[tilespmem:$0x1A100] =	vst v63  }
0x12c: {  	s30 =	simm.s32 $0x6100  }
0x12d: {  	[tilespmem:s30], [sflag:$0x2] =	stream.indirect_vreg.gather [hbm4b:s2+s6], $0x80, v11, vm0, $0xb8;
	[tilespmem:$0x1A100] =	vst v63  }
0x12e: {  	s31 =	simm.s32 $0x6900  }
0x12f: {  	[tilespmem:s31], [sflag:$0x2] =	stream.indirect_vreg.gather [hbm4b:s8+s6], $0x80, v11, vm0, $0xb8;
	[tilespmem:$0x1A100] =	vst v63  }
0x130: {  	s3 =	simm.s32 $0x7100  }
0x131: {  	[tilespmem:s3], [sflag:$0x2] =	stream.indirect_vreg.gather [hbm4b:s9+s6], $0x80, v11, vm0, $0xb8;
	[tilespmem:$0x1A100] =	vst v63  }
0x132: {  	s7 =	simm.s32 $0x7900;
	s4 =	simm.s32 $0x3  }
0x133: {  	[tilespmem:s7], [sflag:$0x2] =	stream.indirect_vreg.gather [hbm4b:s10+s6], $0x80, v11, vm0, $0xb8;
	[tilespmem:$0x1A100] =	vst v63  }
0x134: {  	_ =	swait.ge [sflag:s4], $0x4000  }
0x135: {  	[sflag:s4] =	ssyncset.done $0x0  }
0x136: {  	s3 =	simm.s32 $0x8100;
	s0 =	rddreg [dreg:$0xa];
	[sflag:s4] =	ssyncadd.s32 $0xFFFFC000  }
0x137: {  	[hbm4b:s0+s6] =	stream.linear.scatter [tilespmem:s3], [sflag:$0x7], $0x4000, $0x38;
	[tilespmem:$0x1A100] =	vst v63  }
0x138: {  	_ =	swait.ge [sflag:s22], $0x4000  }
0x139: {  	[sflag:s22] =	ssyncset.done $0x0  }
0x13a: {  	[sflag:s22] =	ssyncadd.s32 $0xFFFFC000  }
0x13b: {  	v11 =	vld [tilespmem:$0xF0];
	_ =	sdelay $0x4  }
0x13c: {  	v63 =	vshll.u32 v11, $0x3  }
0x13d: {  	v11 =	vand.u32 $0x7, v11;
	v12 =	vand.u32 $0xFFFFFFC0, v63  }
0x13e: {  	v11 =	vor.u32 v11, v12  }
0x13f: {  	v12 =	vperm.xlane v11, v1;
	_ =	sdelay $0x1  }
0x140: {  	v12 =	vadd.s32 v2, v12;
	_ =	sdelay $0x4  }
0x141: {  	[tilespmem:s3], [sflag:$0x3] =	stream.indirect_vreg.gather [hbm4b:s2+s6], $0x80, v12, vm0, $0xb8;
	[tilespmem:$0x1A100] =	vst v63  }
0x142: {  	s7 =	simm.s32 $0x8900;
	v11 =	vperm.xlane v11, v3  }
0x143: {  	[tilespmem:s7], [sflag:$0x3] =	stream.indirect_vreg.gather [hbm4b:s8+s6], $0x80, v12, vm0, $0xb8;
	[tilespmem:$0x1A100] =	vst v63  }
0x144: {  	v11 =	vadd.s32 v2, v11;
	s7 =	simm.s32 $0x9100  }
0x145: {  	[tilespmem:s7], [sflag:$0x3] =	stream.indirect_vreg.gather [hbm4b:s9+s6], $0x80, v12, vm0, $0xb8;
	[tilespmem:$0x1A100] =	vst v63  }
0x146: {  	s7 =	simm.s32 $0x9900  }
0x147: {  	[tilespmem:s7], [sflag:$0x3] =	stream.indirect_vreg.gather [hbm4b:s10+s6], $0x80, v12, vm0, $0xb8;
	[tilespmem:$0x1A100] =	vst v63  }
0x148: {  	s7 =	simm.s32 $0xA100  }
0x149: {  	[tilespmem:s7], [sflag:$0x3] =	stream.indirect_vreg.gather [hbm4b:s2+s6], $0x80, v11, vm0, $0xb8;
	[tilespmem:$0x1A100] =	vst v63  }
0x14a: {  	s7 =	simm.s32 $0xA900  }
0x14b: {  	[tilespmem:s7], [sflag:$0x3] =	stream.indirect_vreg.gather [hbm4b:s8+s6], $0x80, v11, vm0, $0xb8;
	[tilespmem:$0x1A100] =	vst v63  }
0x14c: {  	s7 =	simm.s32 $0xB100  }
0x14d: {  	[tilespmem:s7], [sflag:$0x3] =	stream.indirect_vreg.gather [hbm4b:s9+s6], $0x80, v11, vm0, $0xb8;
	[tilespmem:$0x1A100] =	vst v63  }
0x14e: {  	s7 =	simm.s32 $0xB900  }
0x14f: {  	[tilespmem:s7], [sflag:$0x3] =	stream.indirect_vreg.gather [hbm4b:s10+s6], $0x80, v11, vm0, $0xb8;
	[tilespmem:$0x1A100] =	vst v63  }
0x150: {  	s7 =	simm.s32 $0x4  }
0x151: {  	_ =	swait.ge [sflag:s7], $0x4000  }
0x152: {  	[sflag:s7] =	ssyncset.done $0x0  }
0x153: {  	s0 =	simm.s32 $0xC100;
	[sflag:s7] =	ssyncadd.s32 $0xFFFFC000;
	s7 =	rddreg [dreg:$0xb]  }
0x154: {  	[hbm4b:s7+s6] =	stream.linear.scatter [tilespmem:s0], [sflag:$0x6], $0x4000, $0x38;
	[tilespmem:$0x1A100] =	vst v63  }
0x155: {  	s7 =	simm.s32 $0x5  }
0x156: {  	_ =	swait.ge [sflag:s7], $0x4000  }
0x157: {  	[sflag:s7] =	ssyncset.done $0x0  }
0x158: {  	s0 =	simm.s32 $0x10100;
	[sflag:s7] =	ssyncadd.s32 $0xFFFFC000;
	s7 =	rddreg [dreg:$0xc]  }
0x159: {  	[hbm4b:s7+s6] =	stream.linear.scatter [tilespmem:s0], [sflag:$0x6], $0x4000, $0x38;
	[tilespmem:$0x1A100] =	vst v63  }
0x15a: {  	_ =	swait.ge [sflag:s16], $0x4000  }
0x15b: {  	[sflag:s16] =	ssyncset.done $0x0  }
0x15c: {  	[sflag:s16] =	ssyncadd.s32 $0xFFFFC000;
	s16 =	rddreg [dreg:$0xd]  }
0x15d: {  	[hbm4b:s16+s6] =	stream.linear.scatter [tilespmem:s15], [sflag:$0x6], $0x4000, $0x38;
	[tilespmem:$0x1A100] =	vst v63  }
0x15e: {  	_ =	swait.ge [sflag:s21], $0x4000  }
0x15f: {  	[sflag:s21] =	ssyncset.done $0x0  }
0x160: {  	s0 =	rddreg [dreg:$0xe];
	[sflag:s21] =	ssyncadd.s32 $0xFFFFC000  }
0x161: {  	[hbm4b:s0+s6] =	stream.linear.scatter [tilespmem:s14], [sflag:$0x6], $0x4000, $0x38;
	[tilespmem:$0x1A100] =	vst v63  }
0x162: {  	_ =	swait.ge [sflag:s4], $0x4000  }
0x163: {  	[sflag:s4] =	ssyncset.done $0x0  }
0x164: {  	s16 =	rddreg [dreg:$0xf];
	[sflag:s4] =	ssyncadd.s32 $0xFFFFC000  }
0x165: {  	[hbm4b:s16+s6] =	stream.linear.scatter [tilespmem:s3], [sflag:$0x6], $0x4000, $0x38;
	[tilespmem:$0x1A100] =	vst v63  }
0x166: {  	_ =	swait.ge [sflag:s12], $0x4000  }
0x167: {  	[sflag:s12] =	ssyncset.done $0x0  }
0x168: {  	[sflag:s12] =	ssyncadd.s32 $0xFFFFC000  }
0x169: {  	_ =	swait.ge [sflag:s12], $0x4000  }
0x16a: {  	[sflag:s12] =	ssyncset.done $0x0  }
0x16b: {  	[sflag:s12] =	ssyncadd.s32 $0xFFFFC000  }
0x16c: {  	_ =	swait.ge [sflag:s12], $0x4000  }
0x16d: {  	[sflag:s12] =	ssyncset.done $0x0  }
0x16e: {  	[sflag:s12] =	ssyncadd.s32 $0xFFFFC000  }
0x16f: {  	_ =	swait.ge [sflag:s12], $0x4000  }
0x170: {  	[sflag:s12] =	ssyncset.done $0x0  }
0x171: {  	[sflag:s12] =	ssyncadd.s32 $0xFFFFC000  }
0x172: {  	_ =	swait.ge [sflag:s12], $0x4000  }
0x173: {  	s13 =	sadd.s32 $0x1, s13;
	s21 =	rddreg [dreg:$0x10]  }
0x174: {  	p0 =	sne.s32 s13, s21  }
.Ltmp3:
0x175: {  	_ = 	snop;
	(pc) =	sbr.rel @p0 .LBB2_1-.Ltmp3, $3  }
0x176: {  	_ =	sdelay $0x1  }
0x177: {  	[sflag:s12] =	ssyncset.done $0x0  }
0x178: {  	[sflag:s12] =	ssyncadd.s32 $0xFFFFC000  }
0x179: {  	_ =	sfence.sel $0x180000  }
0x17a: {  	[bflag:$0x0] =	sbarrier.arrive $0xFFFF  }
0x17b: {  	_ =	strace $0x90000047  }
0x17c: {  	s0 =	stileid.u32;
	[bflag:$0x2] =	sbarrier.arrive $0xFFFF  }
0x17d: {  	p0 =	sne.s32 s0, $0x0;
	s0 =	rddreg [dreg:$0x5]  }
0x17e: {  	s0 =	sadd.s32 @!p0 $0x100000, s0  }
0x17f: {  	[sflag:s0] =	ssyncadd.tile.s32 @!p0 $0x1;
	_ =	shalt  }
.Lfunc_end2:
_tile_overlayer_lowered:
.L_overlay_start_2:
0x180: {  	(tag) =	ssettag $0x2  }
0x181: {  	s0 =	rddreg [dreg:$0x0];
	s2 =	stileid.u32  }
0x182: {  	s1 =	rddreg [dreg:$0x1];
	p0 =	sne.s32 s2, $0x0  }
0x183: {  	s3 =	rddreg [dreg:$0x2];
	[bflag:$0x3] =	sbarrier.arrive $0xFFFF;
	s2 =	simm.s32 @!p0 $0x1C07  }
0x184: {  	[timem:s3], [sflag:s2] =	dma.local @!p0 [hbm:s0], s1  }
0x185: {  	s0 =	simm.s32 @!p0 $0x7  }
0x186: {  	_ =	swait.ge @!p0 [sflag:s0], s1  }
0x187: {  	s1 =	ssub.s32 @!p0 $0x0, s1;
	[sflag:s0] =	ssyncset.done @!p0 $0x0  }
0x188: {  	[sflag:s0] =	ssyncadd.s32 @!p0 s1  }
0x189: {  	[bflag:$0x3] =	sbarrier.arrive $0xFFFF  }
0x18a: {  	_ =	shalt  }

</sc_bundles>
